<compile_context>
chip_gen: v7x
topology: tpu7x:2x2x1
jax: 0.10.2.dev20260603
libtpu: 0.0.44.dev20260713+nightly
codegen_flags: <defaults>
</compile_context>

<pallas_src>
import jax
import jax.numpy as jnp
import numpy as np
from jax import lax
from jax.experimental import pallas as pl
from jax.experimental.pallas import tpu as pltpu
from jax.experimental.pallas import tpu_sc as plsc

N_NODES = 100000
N_PAIRS = 3200000
R_CUT = 5.0
N_RBF = 16
LAMBDA = 1.0

NC = 2
NS = 16
L = 16
NW = NC * NS
B = 1024
G = B // L
TCOL = B // 128
NBLK = N_PAIRS // B
NBODY = (NBLK + NW - 1) // NW

_centers = np.linspace(0.0, R_CUT, N_RBF).astype(np.float32)
_delta = np.float32(_centers[1] - _centers[0])
_GAMMA = np.float32(np.float32(0.5) / (_delta * _delta))
_NEG_GAMMA = np.float32(-_GAMMA)

_xs = 0.5 * (1.0 + np.cos(np.pi * (np.arange(512) + 0.5) / 512.0))
_ys = 0.5 * (1.0 + np.cos(np.pi * _xs))
_COS_COEF = np.polyfit(_xs, _ys, 12).astype(np.float32)

_SPH_C = np.float32(0.4886025119029199)
_L2C1 = np.float32(1.0925484305920792)
_L2C2 = np.float32(0.31539156525252005)
_L2C3 = np.float32(0.5462742152960396)

_RSQRT_MAGIC = np.int32(0x5F3759DF)


def _sc_body(*refs):
    (rpad_hbm, idxi_hbm, idxj_hbm, pm_hbm, zblk_hbm,
     r_hbm, u_hbm, rbf_hbm, sph_hbm, chi_hbm) = refs[:10]
    sc = list(refs[10:])
    idxi_v = [sc.pop(0)]
    idxj_v = [sc.pop(0)]
    pm_v = [sc.pop(0)]
    ri_v = [sc.pop(0)]
    rj_v = [sc.pop(0)]
    r_v = [sc.pop(0)]
    u_v = [sc.pop(0)]
    rbf_v = [sc.pop(0)]
    sph_v = [sc.pop(0)]
    w_v = [sc.pop(0)]
    chi_sh = sc.pop(0)
    insem = [sc.pop(0)]
    gsem = [sc.pop(0)]
    osem = [sc.pop(0)]
    assert not sc

    cid = lax.axis_index("c")
    sid = lax.axis_index("s")
    wid = cid * NS + sid

    pltpu.sync_copy(zblk_hbm, w_v[0])
    nfull = N_NODES // B
    for t in range(7):
        c = sid + NS * t

        @pl.when(c < nfull)
        def _z():
            pltpu.sync_copy(w_v[0], chi_sh.at[pl.ds(pl.multiple_of(c * B, B), B)])

    @pl.when(sid == 15)
    def _ztail():
        pltpu.sync_copy(w_v[0].at[pl.ds(0, N_NODES - nfull * B)],
                        chi_sh.at[pl.ds(nfull * B, N_NODES - nfull * B)])

    plsc.subcore_barrier()

    iota = lax.iota(jnp.int32, L)
    cols = [jnp.full((L,), k, jnp.int32) for k in range(8)]

    def issue_in(blk, s):
        base = pl.multiple_of(blk * B, B)
        sem = insem[0]
        pltpu.async_copy(idxi_hbm.at[pl.ds(base, B)], idxi_v[s], sem).wait()
        pltpu.async_copy(idxj_hbm.at[pl.ds(base, B)], idxj_v[s], sem).wait()
        pltpu.async_copy(pm_hbm.at[pl.ds(base, B)], pm_v[s], sem).wait()

    def issue_gather(s):
        pltpu.async_copy(rpad_hbm.at[idxi_v[s]], ri_v[s], gsem[0]).wait()
        pltpu.async_copy(rpad_hbm.at[idxj_v[s]], rj_v[s], gsem[0]).wait()

    def issue_out(blk, s):
        base = pl.multiple_of(blk * B, B)
        b512 = pl.multiple_of(blk * (TCOL * 512), TCOL * 512)
        b1024 = pl.multiple_of(blk * (TCOL * 1024), TCOL * 1024)
        b1024h = pl.multiple_of(NBLK * TCOL * 1024 + blk * (TCOL * 1024), TCOL * 1024)
        sem = osem[0]
        pltpu.async_copy(r_v[0], r_hbm.at[pl.ds(b512, TCOL * 512)], sem).wait()
        pltpu.async_copy(u_v[0], u_hbm.at[pl.ds(b512, TCOL * 512)], sem).wait()
        pltpu.async_copy(
            rbf_v[0].at[pl.ds(0, TCOL * 1024)],
            rbf_hbm.at[pl.ds(b1024, TCOL * 1024)], sem).wait()
        pltpu.async_copy(
            rbf_v[0].at[pl.ds(TCOL * 1024, TCOL * 1024)],
            rbf_hbm.at[pl.ds(b1024h, TCOL * 1024)], sem).wait()
        pltpu.async_copy(sph_v[0], sph_hbm.at[pl.ds(b1024, TCOL * 1024)], sem).wait()
        pltpu.async_copy(w_v[0], chi_sh.at[idxi_v[s]], sem, add=True).wait()

    def compute(s):
        def do_group(g, _):
            q0 = g * L
            p = q0 + iota
            tc = q0 // 128
            l0 = q0 % 128
            lv512 = tc * 512 + l0 + iota
            lv1024 = tc * 1024 + l0 + iota

            xi = plsc.load_gather(ri_v[s], [p, cols[0]])
            yi = plsc.load_gather(ri_v[s], [p, cols[1]])
            zi = plsc.load_gather(ri_v[s], [p, cols[2]])
            xj = plsc.load_gather(rj_v[s], [p, cols[0]])
            yj = plsc.load_gather(rj_v[s], [p, cols[1]])
            zj = plsc.load_gather(rj_v[s], [p, cols[2]])
            pm = pm_v[s][pl.ds(q0, L)]

            rx = (xj - xi) * pm
            ry = (yj - yi) * pm
            rz = (zj - zi) * pm

            d2 = rx * rx + ry * ry + rz * rz
            safe = d2 > 0.0
            d2s = jnp.where(safe, d2, 1.0)
            bits = lax.bitcast_convert_type(d2s, jnp.int32)
            y = lax.bitcast_convert_type(
                _RSQRT_MAGIC - lax.shift_right_logical(bits, 1), jnp.float32)
            for _i in range(3):
                y = y * (1.5 - 0.5 * d2s * y * y)
            ds_ = d2s * y
            d = jnp.where(safe, ds_, 0.0) * pm

            plsc.store_scatter(r_v[0], [lv512], rx)
            plsc.store_scatter(r_v[0], [lv512 + 128], ry)
            plsc.store_scatter(r_v[0], [lv512 + 256], rz)
            plsc.store_scatter(r_v[0], [lv512 + 384], d)

            for k in range(N_RBF):
                tt = d - float(_centers[k])
                e = jnp.exp(_NEG_GAMMA * (tt * tt)) * pm
                if k < 8:
                    plsc.store_scatter(rbf_v[0], [lv1024 + k * 128], e)
                else:
                    plsc.store_scatter(
                        rbf_v[0], [TCOL * 1024 + lv1024 + (k - 8) * 128], e)

            sca = d * np.float32(1.0 / R_CUT)
            acc = jnp.full((L,), float(_COS_COEF[0]), jnp.float32)
            for ck in _COS_COEF[1:]:
                acc = acc * sca + float(ck)
            phi = jnp.where(d < R_CUT, acc, 0.0) * pm

            nz = d != 0.0
            inv = 1.0 / jnp.where(nz, d, 1.0)
            ux = jnp.where(nz, rx * inv, 0.0) * pm
            uy = jnp.where(nz, ry * inv, 0.0) * pm
            uz = jnp.where(nz, rz * inv, 0.0) * pm
            plsc.store_scatter(u_v[0], [lv512], ux)
            plsc.store_scatter(u_v[0], [lv512 + 128], uy)
            plsc.store_scatter(u_v[0], [lv512 + 256], uz)
            plsc.store_scatter(u_v[0], [lv512 + 384], phi)

            s0 = _SPH_C * uy * pm
            s1 = _SPH_C * uz * pm
            s2 = _SPH_C * ux * pm
            s3 = _L2C1 * ux * uy * pm
            s4 = _L2C1 * uy * uz * pm
            s5 = _L2C2 * (3.0 * uz * uz - 1.0) * pm
            s6 = _L2C1 * ux * uz * pm
            s7 = _L2C3 * (ux * ux - uy * uy) * pm

            for k, sv in enumerate((s0, s1, s2, s3, s4, s5, s6, s7)):
                plsc.store_scatter(sph_v[0], [lv1024 + k * 128], sv)
                plsc.store_scatter(w_v[0], [p, cols[k]], sv * phi)
            return 0

        lax.fori_loop(0, G, do_group, 0, unroll=False)

    def body(i, _):
        blk = wid + NW * i

        @pl.when(blk < NBLK)
        def _go():
            issue_in(blk, 0)
            issue_gather(0)
            compute(0)
            issue_out(blk, 0)

        return 0

    lax.fori_loop(0, NBODY, body, 0, unroll=False)

    plsc.subcore_barrier()

    for t in range(7):
        c = sid + NS * t

        @pl.when(c < nfull)
        def _wb():
            r0 = pl.multiple_of(c * B, B)
            pltpu.sync_copy(chi_sh.at[pl.ds(r0, B)], w_v[0])
            pltpu.sync_copy(w_v[0], chi_hbm.at[cid, pl.ds(r0, B)])

    @pl.when(sid == 15)
    def _wbtail():
        rem = N_NODES - nfull * B
        pltpu.sync_copy(chi_sh.at[pl.ds(nfull * B, rem)], w_v[0].at[pl.ds(0, rem)])
        pltpu.sync_copy(w_v[0].at[pl.ds(0, rem)], chi_hbm.at[cid, pl.ds(nfull * B, rem)])


_scratch = (
    [pltpu.VMEM((B,), jnp.int32)]
    + [pltpu.VMEM((B,), jnp.int32)]
    + [pltpu.VMEM((B,), jnp.float32)]
    + [pltpu.VMEM((B, 8), jnp.float32)]
    + [pltpu.VMEM((B, 8), jnp.float32)]
    + [pltpu.VMEM((TCOL * 512,), jnp.float32)]
    + [pltpu.VMEM((TCOL * 512,), jnp.float32)]
    + [pltpu.VMEM((TCOL * 2048,), jnp.float32)]
    + [pltpu.VMEM((TCOL * 1024,), jnp.float32)]
    + [pltpu.VMEM((B, 8), jnp.float32)]
    + [pltpu.VMEM_SHARED((N_NODES, 8), jnp.float32)]
    + [pltpu.SemaphoreType.DMA] * 3
)

_sc_call = pl.kernel(
    _sc_body,
    out_type=(
        jax.ShapeDtypeStruct((N_PAIRS * 4,), jnp.float32),
        jax.ShapeDtypeStruct((N_PAIRS * 4,), jnp.float32),
        jax.ShapeDtypeStruct((N_PAIRS * 16,), jnp.float32),
        jax.ShapeDtypeStruct((N_PAIRS * 8,), jnp.float32),
        jax.ShapeDtypeStruct((NC, N_NODES, 8), jnp.float32),
    ),
    mesh=plsc.VectorSubcoreMesh(core_axis_name="c", subcore_axis_name="s"),
    compiler_params=pltpu.CompilerParams(
        needs_layout_passes=False, use_tc_tiling_on_sc=False),
    scratch_types=tuple(_scratch),
)


def _combine_body(p_ref, m_ref, o_ref):
    o_ref[...] = (p_ref[0] + p_ref[1]) * m_ref[...] * np.float32(1.0 / LAMBDA)


_combine = pl.pallas_call(
    _combine_body,
    out_shape=jax.ShapeDtypeStruct((N_NODES * 8 // 128, 128), jnp.float32),
)

_NT = N_PAIRS // 128


def kernel(R, idx_i, idx_j, pair_mask, z, point_mask):
    del z
    rpad = jnp.pad(R, ((0, 0), (0, 5)))
    zblk = jnp.zeros((B, 8), jnp.float32)
    r_f, u_f, rbf_f, sph_f, chi_parts = _sc_call(
        rpad, idx_i, idx_j, pair_mask, zblk)
    mask_rep = jnp.repeat(point_mask, 8).reshape(N_NODES * 8 // 128, 128)
    chi = _combine(chi_parts.reshape(NC, N_NODES * 8 // 128, 128), mask_rep)
    r4 = r_f.reshape(_NT, 4, 128)
    u4 = u_f.reshape(_NT, 4, 128)
    r_ij = r4[:, :3, :].transpose(0, 2, 1).reshape(N_PAIRS, 3)
    u_ij = u4[:, :3, :].transpose(0, 2, 1).reshape(N_PAIRS, 3)
    d_ij = r4[:, 3, :].reshape(N_PAIRS)
    phi = u4[:, 3, :].reshape(N_PAIRS)
    rbf_ij = rbf_f.reshape(2, _NT, 8, 128).transpose(1, 3, 0, 2).reshape(N_PAIRS, 16)
    sph_ij = sph_f.reshape(_NT, 8, 128).transpose(0, 2, 1).reshape(N_PAIRS, 8)
    return (r_ij, u_ij, d_ij, rbf_ij, phi, sph_ij, chi.reshape(N_NODES, 8))

# --- scband reference (transcript-rebuilt; emitter-appended) ---
"""Pipeline reference for scband-geometric-embedding-23029614641193 (READ-ONLY COPY).

The authoritative reference and input builder live on the scoring server;
editing this copy changes nothing except your own understanding.
"""

import jax, jax.numpy as jnp
import numpy as np

N_NODES = 100000
N_PAIRS = 3200000
R_CUT = 5.0
N_RBF = 16
LAMBDA = 1.0


def setup_inputs(seed: int = 0) -> dict:
    key = jax.random.key(seed)
    ks = jax.random.split(key, 4)
    R = jax.random.normal(ks[0], (N_NODES, 3), dtype=jnp.float32)
    idx_i = jax.random.randint(ks[1], (N_PAIRS,), 0, N_NODES, dtype=jnp.int32)
    idx_j = jax.random.randint(ks[2], (N_PAIRS,), 0, N_NODES, dtype=jnp.int32)
    pair_mask = jnp.ones((N_PAIRS,), dtype=jnp.float32)
    z = jax.random.randint(ks[3], (N_NODES,), 0, 100, dtype=jnp.int32)
    point_mask = jnp.ones((N_NODES,), dtype=jnp.float32)
    return {"R": R, "idx_i": idx_i, "idx_j": idx_j, "pair_mask": pair_mask, "z": z, "point_mask": point_mask}


def _sph_l1(u):
    x, y, zc = u[:, 0], u[:, 1], u[:, 2]
    c = 0.4886025119029199
    return jnp.stack([c * y, c * zc, c * x], axis=-1)


def _sph_l2(u):
    x, y, zc = u[:, 0], u[:, 1], u[:, 2]
    c1 = 1.0925484305920792
    c2 = 0.31539156525252005
    c3 = 0.5462742152960396
    return jnp.stack([c1 * x * y, c1 * y * zc, c2 * (3.0 * zc * zc - 1.0), c1 * x * zc, c3 * (x * x - y * y)], axis=-1)


def _forward(R, pair_mask, point_mask, idx_i, idx_j):
    # r_ij = R[j] - R[i], masked (gather)
    r_ij = (jnp.take(R, idx_j, axis=0) - jnp.take(R, idx_i, axis=0)) * pair_mask[:, None]
    # safe norm (safe_mask pattern from original: placeholder 0 where d==0)
    d2 = jnp.sum(r_ij * r_ij, axis=-1)
    safe = d2 > 0
    d_ij = jnp.where(safe, jnp.sqrt(jnp.where(safe, d2, 1.0)), 0.0) * pair_mask
    # gaussian radial basis
    centers = jnp.linspace(0.0, R_CUT, N_RBF)
    gamma = 0.5 / (centers[1] - centers[0]) ** 2
    rbf_ij = jnp.exp(-gamma * (d_ij[:, None] - centers[None, :]) ** 2) * pair_mask[:, None]
    # cosine cutoff
    phi_r_cut = jnp.where(d_ij < R_CUT, 0.5 * (jnp.cos(jnp.pi * d_ij / R_CUT) + 1.0), 0.0) * pair_mask
    # unit vectors with safe divide
    dn = d_ij[:, None]
    unit_r_ij = jnp.where(dn != 0, r_ij / jnp.where(dn != 0, dn, 1.0), 0.0) * pair_mask[:, None]
    # spherical harmonics, degrees [1, 2] -> 3 + 5 = 8 components
    sph_ij = jnp.concatenate([_sph_l1(unit_r_ij) * pair_mask[:, None], _sph_l2(unit_r_ij) * pair_mask[:, None]], axis=-1)
    # sphc init: scatter-add of cutoff-weighted spherical harmonics onto center atoms
    weighted = sph_ij * phi_r_cut[:, None]
    chi = jax.ops.segment_sum(weighted, idx_i, num_segments=R.shape[0])
    chi = chi * point_mask[:, None] / LAMBDA
    return r_ij, unit_r_ij, d_ij, rbf_ij, phi_r_cut, sph_ij, chi


def reference(R, idx_i, idx_j, pair_mask, z, point_mask):
    del z  # only used for its length in the original (minlength=len(z) == N_NODES)
    return _forward(R, pair_mask, point_mask, idx_i, idx_j)

if __name__ == "__main__":
    import jax
    _d = setup_inputs()
    print(jax.jit(kernel)(*tuple(_d.values())))

</pallas_src>

<mosaic_0001>
#map = affine_map<(d0, d1) -> (0, 0)>
#map1 = affine_map<(d0, d1) -> (0)>
#map2 = affine_map<(d0, d1) -> (0, 0, 0)>
module attributes {stable_mosaic.version = 14 : i64} {
  func.func @_sc_body(%arg0: i32, %arg1: i32, %arg2: memref<100000x8xf32, #tpu.memory_space<hbm>>, %arg3: memref<3200000xi32, #tpu.memory_space<hbm>>, %arg4: memref<3200000xi32, #tpu.memory_space<hbm>>, %arg5: memref<3200000xf32, #tpu.memory_space<hbm>>, %arg6: memref<1024x8xf32, #tpu.memory_space<hbm>>, %arg7: memref<12800000xf32, #tpu.memory_space<hbm>>, %arg8: memref<12800000xf32, #tpu.memory_space<hbm>>, %arg9: memref<51200000xf32, #tpu.memory_space<hbm>>, %arg10: memref<25600000xf32, #tpu.memory_space<hbm>>, %arg11: memref<2x100000x8xf32, #tpu.memory_space<hbm>>, %arg12: memref<1024xi32, #tpu.memory_space<vmem>>, %arg13: memref<1024xi32, #tpu.memory_space<vmem>>, %arg14: memref<1024xf32, #tpu.memory_space<vmem>>, %arg15: memref<1024x8xf32, #tpu.memory_space<vmem>>, %arg16: memref<1024x8xf32, #tpu.memory_space<vmem>>, %arg17: memref<4096xf32, #tpu.memory_space<vmem>>, %arg18: memref<4096xf32, #tpu.memory_space<vmem>>, %arg19: memref<16384xf32, #tpu.memory_space<vmem>>, %arg20: memref<8192xf32, #tpu.memory_space<vmem>>, %arg21: memref<1024x8xf32, #tpu.memory_space<vmem>>, %arg22: memref<100000x8xf32, #tpu.memory_space<vmem_shared>>, %arg23: memref<!tpu.dma_semaphore, #tpu.memory_space<semaphore_mem>>, %arg24: memref<!tpu.dma_semaphore, #tpu.memory_space<semaphore_mem>>, %arg25: memref<!tpu.dma_semaphore, #tpu.memory_space<semaphore_mem>>) attributes {dimension_semantics = [#tpu.dimension_semantics<core_parallel>, #tpu.dimension_semantics<subcore_parallel>], iteration_bounds = array<i64: 2, 16>, scalar_prefetch = 0 : i64, scratch_operands = 14 : i64, tpu.core_type = #tpu.core_type<sc_vector_subcore>, window_params = [{transform_indices = #map}, {transform_indices = #map1}, {transform_indices = #map1}, {transform_indices = #map1}, {transform_indices = #map}, {transform_indices = #map1}, {transform_indices = #map1}, {transform_indices = #map1}, {transform_indices = #map1}, {transform_indices = #map2}]} {
    %mul3A = arith.constant 16 : i32
    %mul3A_0 = arith.muli %arg0, %mul3A : i32
    %add3A = arith.addi %mul3A_0, %arg1 : i32
    "tpu.region"() ({
      %run_scoped3A = tpu.sem_alloc : memref<!tpu.dma_semaphore, #tpu.memory_space<semaphore_mem>>
      tpu.enqueue_dma source(%arg6 : memref<1024x8xf32, #tpu.memory_space<hbm>>) target(%arg21 : memref<1024x8xf32, #tpu.memory_space<vmem>>) target_semaphore(%run_scoped3A : memref<!tpu.dma_semaphore, #tpu.memory_space<semaphore_mem>>)
      tpu.wait_dma2 semaphore(%run_scoped3A : memref<!tpu.dma_semaphore, #tpu.memory_space<semaphore_mem>>) src(%arg6 : memref<1024x8xf32, #tpu.memory_space<hbm>>) dst(%arg21 : memref<1024x8xf32, #tpu.memory_space<vmem>>)
      tpu.yield
    }) : () -> ()
    %add3A_1 = arith.constant 0 : i32
    %add3A_2 = arith.addi %arg1, %add3A_1 : i32
    %lt3A = arith.constant 97 : i32
    %lt3A_3 = arith.cmpi slt, %add3A_2, %lt3A : i32
    %convert_element_type3A = arith.extui %lt3A_3 : i1 to i32
    %cond3A = arith.constant 0 : i32
    %cond3A_4 = arith.cmpi ne, %convert_element_type3A, %cond3A : i32
    scf.if %cond3A_4 {
      %mul3A_127 = arith.constant 1024 : i32
      %mul3A_128 = arith.muli %add3A_2, %mul3A_127 : i32
      %multiple_of3A = tpu.assume_multiple %mul3A_128, 1024 : i32
      "tpu.region"() ({
        %run_scoped3A = tpu.sem_alloc : memref<!tpu.dma_semaphore, #tpu.memory_space<semaphore_mem>>
        %dma_start3A = arith.constant 0 : i32
        %dma_start3A_129 = tpu.memref_slice %arg22[%multiple_of3A, %dma_start3A] : memref<100000x8xf32, #tpu.memory_space<vmem_shared>> -> memref<1024x8xf32, #tpu.memory_space<vmem_shared>>
        %dma_start3A_130 = arith.constant 0 : i32
        %dma_start3A_131 = tpu.memref_slice %arg22[%multiple_of3A, %dma_start3A_130] : memref<100000x8xf32, #tpu.memory_space<vmem_shared>> -> memref<1024x8xf32, #tpu.memory_space<vmem_shared>>
        tpu.enqueue_dma source(%arg21 : memref<1024x8xf32, #tpu.memory_space<vmem>>) target(%dma_start3A_131 : memref<1024x8xf32, #tpu.memory_space<vmem_shared>>) target_semaphore(%run_scoped3A : memref<!tpu.dma_semaphore, #tpu.memory_space<semaphore_mem>>)
        %dma_wait3A = arith.constant 0 : i32
        %dma_wait3A_132 = tpu.memref_slice %arg22[%multiple_of3A, %dma_wait3A] : memref<100000x8xf32, #tpu.memory_space<vmem_shared>> -> memref<1024x8xf32, #tpu.memory_space<vmem_shared>>
        %dma_wait3A_133 = arith.constant 0 : i32
        %dma_wait3A_134 = tpu.memref_slice %arg22[%multiple_of3A, %dma_wait3A_133] : memref<100000x8xf32, #tpu.memory_space<vmem_shared>> -> memref<1024x8xf32, #tpu.memory_space<vmem_shared>>
        tpu.wait_dma2 semaphore(%run_scoped3A : memref<!tpu.dma_semaphore, #tpu.memory_space<semaphore_mem>>) src(%arg21 : memref<1024x8xf32, #tpu.memory_space<vmem>>) dst(%dma_wait3A_134 : memref<1024x8xf32, #tpu.memory_space<vmem_shared>>)
        tpu.yield
      }) : () -> ()
    } else {
    }
    %add3A_5 = arith.constant 16 : i32
    %add3A_6 = arith.addi %arg1, %add3A_5 : i32
    %lt3A_7 = arith.constant 97 : i32
    %lt3A_8 = arith.cmpi slt, %add3A_6, %lt3A_7 : i32
    %convert_element_type3A_9 = arith.extui %lt3A_8 : i1 to i32
    %cond3A_10 = arith.constant 0 : i32
    %cond3A_11 = arith.cmpi ne, %convert_element_type3A_9, %cond3A_10 : i32
    scf.if %cond3A_11 {
      %mul3A_127 = arith.constant 1024 : i32
      %mul3A_128 = arith.muli %add3A_6, %mul3A_127 : i32
      %multiple_of3A = tpu.assume_multiple %mul3A_128, 1024 : i32
      "tpu.region"() ({
        %run_scoped3A = tpu.sem_alloc : memref<!tpu.dma_semaphore, #tpu.memory_space<semaphore_mem>>
        %dma_start3A = arith.constant 0 : i32
        %dma_start3A_129 = tpu.memref_slice %arg22[%multiple_of3A, %dma_start3A] : memref<100000x8xf32, #tpu.memory_space<vmem_shared>> -> memref<1024x8xf32, #tpu.memory_space<vmem_shared>>
        %dma_start3A_130 = arith.constant 0 : i32
        %dma_start3A_131 = tpu.memref_slice %arg22[%multiple_of3A, %dma_start3A_130] : memref<100000x8xf32, #tpu.memory_space<vmem_shared>> -> memref<1024x8xf32, #tpu.memory_space<vmem_shared>>
        tpu.enqueue_dma source(%arg21 : memref<1024x8xf32, #tpu.memory_space<vmem>>) target(%dma_start3A_131 : memref<1024x8xf32, #tpu.memory_space<vmem_shared>>) target_semaphore(%run_scoped3A : memref<!tpu.dma_semaphore, #tpu.memory_space<semaphore_mem>>)
        %dma_wait3A = arith.constant 0 : i32
        %dma_wait3A_132 = tpu.memref_slice %arg22[%multiple_of3A, %dma_wait3A] : memref<100000x8xf32, #tpu.memory_space<vmem_shared>> -> memref<1024x8xf32, #tpu.memory_space<vmem_shared>>
        %dma_wait3A_133 = arith.constant 0 : i32
        %dma_wait3A_134 = tpu.memref_slice %arg22[%multiple_of3A, %dma_wait3A_133] : memref<100000x8xf32, #tpu.memory_space<vmem_shared>> -> memref<1024x8xf32, #tpu.memory_space<vmem_shared>>
        tpu.wait_dma2 semaphore(%run_scoped3A : memref<!tpu.dma_semaphore, #tpu.memory_space<semaphore_mem>>) src(%arg21 : memref<1024x8xf32, #tpu.memory_space<vmem>>) dst(%dma_wait3A_134 : memref<1024x8xf32, #tpu.memory_space<vmem_shared>>)
        tpu.yield
      }) : () -> ()
    } else {
    }
    %add3A_12 = arith.constant 32 : i32
    %add3A_13 = arith.addi %arg1, %add3A_12 : i32
    %lt3A_14 = arith.constant 97 : i32
    %lt3A_15 = arith.cmpi slt, %add3A_13, %lt3A_14 : i32
    %convert_element_type3A_16 = arith.extui %lt3A_15 : i1 to i32
    %cond3A_17 = arith.constant 0 : i32
    %cond3A_18 = arith.cmpi ne, %convert_element_type3A_16, %cond3A_17 : i32
    scf.if %cond3A_18 {
      %mul3A_127 = arith.constant 1024 : i32
      %mul3A_128 = arith.muli %add3A_13, %mul3A_127 : i32
      %multiple_of3A = tpu.assume_multiple %mul3A_128, 1024 : i32
      "tpu.region"() ({
        %run_scoped3A = tpu.sem_alloc : memref<!tpu.dma_semaphore, #tpu.memory_space<semaphore_mem>>
        %dma_start3A = arith.constant 0 : i32
        %dma_start3A_129 = tpu.memref_slice %arg22[%multiple_of3A, %dma_start3A] : memref<100000x8xf32, #tpu.memory_space<vmem_shared>> -> memref<1024x8xf32, #tpu.memory_space<vmem_shared>>
        %dma_start3A_130 = arith.constant 0 : i32
        %dma_start3A_131 = tpu.memref_slice %arg22[%multiple_of3A, %dma_start3A_130] : memref<100000x8xf32, #tpu.memory_space<vmem_shared>> -> memref<1024x8xf32, #tpu.memory_space<vmem_shared>>
        tpu.enqueue_dma source(%arg21 : memref<1024x8xf32, #tpu.memory_space<vmem>>) target(%dma_start3A_131 : memref<1024x8xf32, #tpu.memory_space<vmem_shared>>) target_semaphore(%run_scoped3A : memref<!tpu.dma_semaphore, #tpu.memory_space<semaphore_mem>>)
        %dma_wait3A = arith.constant 0 : i32
        %dma_wait3A_132 = tpu.memref_slice %arg22[%multiple_of3A, %dma_wait3A] : memref<100000x8xf32, #tpu.memory_space<vmem_shared>> -> memref<1024x8xf32, #tpu.memory_space<vmem_shared>>
        %dma_wait3A_133 = arith.constant 0 : i32
        %dma_wait3A_134 = tpu.memref_slice %arg22[%multiple_of3A, %dma_wait3A_133] : memref<100000x8xf32, #tpu.memory_space<vmem_shared>> -> memref<1024x8xf32, #tpu.memory_space<vmem_shared>>
        tpu.wait_dma2 semaphore(%run_scoped3A : memref<!tpu.dma_semaphore, #tpu.memory_space<semaphore_mem>>) src(%arg21 : memref<1024x8xf32, #tpu.memory_space<vmem>>) dst(%dma_wait3A_134 : memref<1024x8xf32, #tpu.memory_space<vmem_shared>>)
        tpu.yield
      }) : () -> ()
    } else {
    }
    %add3A_19 = arith.constant 48 : i32
    %add3A_20 = arith.addi %arg1, %add3A_19 : i32
    %lt3A_21 = arith.constant 97 : i32
    %lt3A_22 = arith.cmpi slt, %add3A_20, %lt3A_21 : i32
    %convert_element_type3A_23 = arith.extui %lt3A_22 : i1 to i32
    %cond3A_24 = arith.constant 0 : i32
    %cond3A_25 = arith.cmpi ne, %convert_element_type3A_23, %cond3A_24 : i32
    scf.if %cond3A_25 {
      %mul3A_127 = arith.constant 1024 : i32
      %mul3A_128 = arith.muli %add3A_20, %mul3A_127 : i32
      %multiple_of3A = tpu.assume_multiple %mul3A_128, 1024 : i32
      "tpu.region"() ({
        %run_scoped3A = tpu.sem_alloc : memref<!tpu.dma_semaphore, #tpu.memory_space<semaphore_mem>>
        %dma_start3A = arith.constant 0 : i32
        %dma_start3A_129 = tpu.memref_slice %arg22[%multiple_of3A, %dma_start3A] : memref<100000x8xf32, #tpu.memory_space<vmem_shared>> -> memref<1024x8xf32, #tpu.memory_space<vmem_shared>>
        %dma_start3A_130 = arith.constant 0 : i32
        %dma_start3A_131 = tpu.memref_slice %arg22[%multiple_of3A, %dma_start3A_130] : memref<100000x8xf32, #tpu.memory_space<vmem_shared>> -> memref<1024x8xf32, #tpu.memory_space<vmem_shared>>
        tpu.enqueue_dma source(%arg21 : memref<1024x8xf32, #tpu.memory_space<vmem>>) target(%dma_start3A_131 : memref<1024x8xf32, #tpu.memory_space<vmem_shared>>) target_semaphore(%run_scoped3A : memref<!tpu.dma_semaphore, #tpu.memory_space<semaphore_mem>>)
        %dma_wait3A = arith.constant 0 : i32
        %dma_wait3A_132 = tpu.memref_slice %arg22[%multiple_of3A, %dma_wait3A] : memref<100000x8xf32, #tpu.memory_space<vmem_shared>> -> memref<1024x8xf32, #tpu.memory_space<vmem_shared>>
        %dma_wait3A_133 = arith.constant 0 : i32
        %dma_wait3A_134 = tpu.memref_slice %arg22[%multiple_of3A, %dma_wait3A_133] : memref<100000x8xf32, #tpu.memory_space<vmem_shared>> -> memref<1024x8xf32, #tpu.memory_space<vmem_shared>>
        tpu.wait_dma2 semaphore(%run_scoped3A : memref<!tpu.dma_semaphore, #tpu.memory_space<semaphore_mem>>) src(%arg21 : memref<1024x8xf32, #tpu.memory_space<vmem>>) dst(%dma_wait3A_134 : memref<1024x8xf32, #tpu.memory_space<vmem_shared>>)
        tpu.yield
      }) : () -> ()
    } else {
    }
    %add3A_26 = arith.constant 64 : i32
    %add3A_27 = arith.addi %arg1, %add3A_26 : i32
    %lt3A_28 = arith.constant 97 : i32
    %lt3A_29 = arith.cmpi slt, %add3A_27, %lt3A_28 : i32
    %convert_element_type3A_30 = arith.extui %lt3A_29 : i1 to i32
    %cond3A_31 = arith.constant 0 : i32
    %cond3A_32 = arith.cmpi ne, %convert_element_type3A_30, %cond3A_31 : i32
    scf.if %cond3A_32 {
      %mul3A_127 = arith.constant 1024 : i32
      %mul3A_128 = arith.muli %add3A_27, %mul3A_127 : i32
      %multiple_of3A = tpu.assume_multiple %mul3A_128, 1024 : i32
      "tpu.region"() ({
        %run_scoped3A = tpu.sem_alloc : memref<!tpu.dma_semaphore, #tpu.memory_space<semaphore_mem>>
        %dma_start3A = arith.constant 0 : i32
        %dma_start3A_129 = tpu.memref_slice %arg22[%multiple_of3A, %dma_start3A] : memref<100000x8xf32, #tpu.memory_space<vmem_shared>> -> memref<1024x8xf32, #tpu.memory_space<vmem_shared>>
        %dma_start3A_130 = arith.constant 0 : i32
        %dma_start3A_131 = tpu.memref_slice %arg22[%multiple_of3A, %dma_start3A_130] : memref<100000x8xf32, #tpu.memory_space<vmem_shared>> -> memref<1024x8xf32, #tpu.memory_space<vmem_shared>>
        tpu.enqueue_dma source(%arg21 : memref<1024x8xf32, #tpu.memory_space<vmem>>) target(%dma_start3A_131 : memref<1024x8xf32, #tpu.memory_space<vmem_shared>>) target_semaphore(%run_scoped3A : memref<!tpu.dma_semaphore, #tpu.memory_space<semaphore_mem>>)
        %dma_wait3A = arith.constant 0 : i32
        %dma_wait3A_132 = tpu.memref_slice %arg22[%multiple_of3A, %dma_wait3A] : memref<100000x8xf32, #tpu.memory_space<vmem_shared>> -> memref<1024x8xf32, #tpu.memory_space<vmem_shared>>
        %dma_wait3A_133 = arith.constant 0 : i32
        %dma_wait3A_134 = tpu.memref_slice %arg22[%multiple_of3A, %dma_wait3A_133] : memref<100000x8xf32, #tpu.memory_space<vmem_shared>> -> memref<1024x8xf32, #tpu.memory_space<vmem_shared>>
        tpu.wait_dma2 semaphore(%run_scoped3A : memref<!tpu.dma_semaphore, #tpu.memory_space<semaphore_mem>>) src(%arg21 : memref<1024x8xf32, #tpu.memory_space<vmem>>) dst(%dma_wait3A_134 : memref<1024x8xf32, #tpu.memory_space<vmem_shared>>)
        tpu.yield
      }) : () -> ()
    } else {
    }
    %add3A_33 = arith.constant 80 : i32
    %add3A_34 = arith.addi %arg1, %add3A_33 : i32
    %lt3A_35 = arith.constant 97 : i32
    %lt3A_36 = arith.cmpi slt, %add3A_34, %lt3A_35 : i32
    %convert_element_type3A_37 = arith.extui %lt3A_36 : i1 to i32
    %cond3A_38 = arith.constant 0 : i32
    %cond3A_39 = arith.cmpi ne, %convert_element_type3A_37, %cond3A_38 : i32
    scf.if %cond3A_39 {
      %mul3A_127 = arith.constant 1024 : i32
      %mul3A_128 = arith.muli %add3A_34, %mul3A_127 : i32
      %multiple_of3A = tpu.assume_multiple %mul3A_128, 1024 : i32
      "tpu.region"() ({
        %run_scoped3A = tpu.sem_alloc : memref<!tpu.dma_semaphore, #tpu.memory_space<semaphore_mem>>
        %dma_start3A = arith.constant 0 : i32
        %dma_start3A_129 = tpu.memref_slice %arg22[%multiple_of3A, %dma_start3A] : memref<100000x8xf32, #tpu.memory_space<vmem_shared>> -> memref<1024x8xf32, #tpu.memory_space<vmem_shared>>
        %dma_start3A_130 = arith.constant 0 : i32
        %dma_start3A_131 = tpu.memref_slice %arg22[%multiple_of3A, %dma_start3A_130] : memref<100000x8xf32, #tpu.memory_space<vmem_shared>> -> memref<1024x8xf32, #tpu.memory_space<vmem_shared>>
        tpu.enqueue_dma source(%arg21 : memref<1024x8xf32, #tpu.memory_space<vmem>>) target(%dma_start3A_131 : memref<1024x8xf32, #tpu.memory_space<vmem_shared>>) target_semaphore(%run_scoped3A : memref<!tpu.dma_semaphore, #tpu.memory_space<semaphore_mem>>)
        %dma_wait3A = arith.constant 0 : i32
        %dma_wait3A_132 = tpu.memref_slice %arg22[%multiple_of3A, %dma_wait3A] : memref<100000x8xf32, #tpu.memory_space<vmem_shared>> -> memref<1024x8xf32, #tpu.memory_space<vmem_shared>>
        %dma_wait3A_133 = arith.constant 0 : i32
        %dma_wait3A_134 = tpu.memref_slice %arg22[%multiple_of3A, %dma_wait3A_133] : memref<100000x8xf32, #tpu.memory_space<vmem_shared>> -> memref<1024x8xf32, #tpu.memory_space<vmem_shared>>
        tpu.wait_dma2 semaphore(%run_scoped3A : memref<!tpu.dma_semaphore, #tpu.memory_space<semaphore_mem>>) src(%arg21 : memref<1024x8xf32, #tpu.memory_space<vmem>>) dst(%dma_wait3A_134 : memref<1024x8xf32, #tpu.memory_space<vmem_shared>>)
        tpu.yield
      }) : () -> ()
    } else {
    }
    %add3A_40 = arith.constant 96 : i32
    %add3A_41 = arith.addi %arg1, %add3A_40 : i32
    %lt3A_42 = arith.constant 97 : i32
    %lt3A_43 = arith.cmpi slt, %add3A_41, %lt3A_42 : i32
    %convert_element_type3A_44 = arith.extui %lt3A_43 : i1 to i32
    %cond3A_45 = arith.constant 0 : i32
    %cond3A_46 = arith.cmpi ne, %convert_element_type3A_44, %cond3A_45 : i32
    scf.if %cond3A_46 {
      %mul3A_127 = arith.constant 1024 : i32
      %mul3A_128 = arith.muli %add3A_41, %mul3A_127 : i32
      %multiple_of3A = tpu.assume_multiple %mul3A_128, 1024 : i32
      "tpu.region"() ({
        %run_scoped3A = tpu.sem_alloc : memref<!tpu.dma_semaphore, #tpu.memory_space<semaphore_mem>>
        %dma_start3A = arith.constant 0 : i32
        %dma_start3A_129 = tpu.memref_slice %arg22[%multiple_of3A, %dma_start3A] : memref<100000x8xf32, #tpu.memory_space<vmem_shared>> -> memref<1024x8xf32, #tpu.memory_space<vmem_shared>>
        %dma_start3A_130 = arith.constant 0 : i32
        %dma_start3A_131 = tpu.memref_slice %arg22[%multiple_of3A, %dma_start3A_130] : memref<100000x8xf32, #tpu.memory_space<vmem_shared>> -> memref<1024x8xf32, #tpu.memory_space<vmem_shared>>
        tpu.enqueue_dma source(%arg21 : memref<1024x8xf32, #tpu.memory_space<vmem>>) target(%dma_start3A_131 : memref<1024x8xf32, #tpu.memory_space<vmem_shared>>) target_semaphore(%run_scoped3A : memref<!tpu.dma_semaphore, #tpu.memory_space<semaphore_mem>>)
        %dma_wait3A = arith.constant 0 : i32
        %dma_wait3A_132 = tpu.memref_slice %arg22[%multiple_of3A, %dma_wait3A] : memref<100000x8xf32, #tpu.memory_space<vmem_shared>> -> memref<1024x8xf32, #tpu.memory_space<vmem_shared>>
        %dma_wait3A_133 = arith.constant 0 : i32
        %dma_wait3A_134 = tpu.memref_slice %arg22[%multiple_of3A, %dma_wait3A_133] : memref<100000x8xf32, #tpu.memory_space<vmem_shared>> -> memref<1024x8xf32, #tpu.memory_space<vmem_shared>>
        tpu.wait_dma2 semaphore(%run_scoped3A : memref<!tpu.dma_semaphore, #tpu.memory_space<semaphore_mem>>) src(%arg21 : memref<1024x8xf32, #tpu.memory_space<vmem>>) dst(%dma_wait3A_134 : memref<1024x8xf32, #tpu.memory_space<vmem_shared>>)
        tpu.yield
      }) : () -> ()
    } else {
    }
    %eq3A = arith.constant 15 : i32
    %eq3A_47 = arith.cmpi eq, %arg1, %eq3A : i32
    %convert_element_type3A_48 = arith.extui %eq3A_47 : i1 to i32
    %cond3A_49 = arith.constant 0 : i32
    %cond3A_50 = arith.cmpi ne, %convert_element_type3A_48, %cond3A_49 : i32
    scf.if %cond3A_50 {
      "tpu.region"() ({
        %run_scoped3A = tpu.sem_alloc : memref<!tpu.dma_semaphore, #tpu.memory_space<semaphore_mem>>
        %dma_start3A = arith.constant 0 : i32
        %dma_start3A_127 = arith.constant 0 : i32
        %dma_start3A_128 = tpu.memref_slice %arg21[%dma_start3A, %dma_start3A_127] : memref<1024x8xf32, #tpu.memory_space<vmem>> -> memref<672x8xf32, #tpu.memory_space<vmem>>
        %dma_start3A_129 = arith.constant 99328 : i32
        %dma_start3A_130 = arith.constant 0 : i32
        %dma_start3A_131 = tpu.memref_slice %arg22[%dma_start3A_129, %dma_start3A_130] : memref<100000x8xf32, #tpu.memory_space<vmem_shared>> -> memref<672x8xf32, #tpu.memory_space<vmem_shared>>
        %dma_start3A_132 = arith.constant 99328 : i32
        %dma_start3A_133 = arith.constant 0 : i32
        %dma_start3A_134 = tpu.memref_slice %arg22[%dma_start3A_132, %dma_start3A_133] : memref<100000x8xf32, #tpu.memory_space<vmem_shared>> -> memref<672x8xf32, #tpu.memory_space<vmem_shared>>
        %dma_start3A_135 = arith.constant 0 : i32
        %dma_start3A_136 = arith.constant 0 : i32
        %dma_start3A_137 = tpu.memref_slice %arg21[%dma_start3A_135, %dma_start3A_136] : memref<1024x8xf32, #tpu.memory_space<vmem>> -> memref<672x8xf32, #tpu.memory_space<vmem>>
        tpu.enqueue_dma source(%dma_start3A_137 : memref<672x8xf32, #tpu.memory_space<vmem>>) target(%dma_start3A_134 : memref<672x8xf32, #tpu.memory_space<vmem_shared>>) target_semaphore(%run_scoped3A : memref<!tpu.dma_semaphore, #tpu.memory_space<semaphore_mem>>)
        %dma_wait3A = arith.constant 0 : i32
        %dma_wait3A_138 = arith.constant 0 : i32
        %dma_wait3A_139 = tpu.memref_slice %arg21[%dma_wait3A, %dma_wait3A_138] : memref<1024x8xf32, #tpu.memory_space<vmem>> -> memref<672x8xf32, #tpu.memory_space<vmem>>
        %dma_wait3A_140 = arith.constant 99328 : i32
        %dma_wait3A_141 = arith.constant 0 : i32
        %dma_wait3A_142 = tpu.memref_slice %arg22[%dma_wait3A_140, %dma_wait3A_141] : memref<100000x8xf32, #tpu.memory_space<vmem_shared>> -> memref<672x8xf32, #tpu.memory_space<vmem_shared>>
        %dma_wait3A_143 = arith.constant 99328 : i32
        %dma_wait3A_144 = arith.constant 0 : i32
        %dma_wait3A_145 = tpu.memref_slice %arg22[%dma_wait3A_143, %dma_wait3A_144] : memref<100000x8xf32, #tpu.memory_space<vmem_shared>> -> memref<672x8xf32, #tpu.memory_space<vmem_shared>>
        %dma_wait3A_146 = arith.constant 0 : i32
        %dma_wait3A_147 = arith.constant 0 : i32
        %dma_wait3A_148 = tpu.memref_slice %arg21[%dma_wait3A_146, %dma_wait3A_147] : memref<1024x8xf32, #tpu.memory_space<vmem>> -> memref<672x8xf32, #tpu.memory_space<vmem>>
        tpu.wait_dma2 semaphore(%run_scoped3A : memref<!tpu.dma_semaphore, #tpu.memory_space<semaphore_mem>>) src(%dma_wait3A_148 : memref<672x8xf32, #tpu.memory_space<vmem>>) dst(%dma_wait3A_145 : memref<672x8xf32, #tpu.memory_space<vmem_shared>>)
        tpu.yield
      }) : () -> ()
    } else {
    }
    %barrier3A = arith.constant 0 : index
    tpu.barrier barrier_id(%barrier3A)
    %iota3A = tpu.iota {dimensions = array<i32: 0>} : vector<16xi32>
    %broadcast_in_dim3A = arith.constant 0 : i32
    %broadcast_in_dim3A_51 = vector.broadcast %broadcast_in_dim3A : i32 to vector<16xi32>
    %broadcast_in_dim3A_52 = arith.constant 1 : i32
    %broadcast_in_dim3A_53 = vector.broadcast %broadcast_in_dim3A_52 : i32 to vector<16xi32>
    %broadcast_in_dim3A_54 = arith.constant 2 : i32
    %broadcast_in_dim3A_55 = vector.broadcast %broadcast_in_dim3A_54 : i32 to vector<16xi32>
    %broadcast_in_dim3A_56 = arith.constant 3 : i32
    %broadcast_in_dim3A_57 = vector.broadcast %broadcast_in_dim3A_56 : i32 to vector<16xi32>
    %broadcast_in_dim3A_58 = arith.constant 4 : i32
    %broadcast_in_dim3A_59 = vector.broadcast %broadcast_in_dim3A_58 : i32 to vector<16xi32>
    %broadcast_in_dim3A_60 = arith.constant 5 : i32
    %broadcast_in_dim3A_61 = vector.broadcast %broadcast_in_dim3A_60 : i32 to vector<16xi32>
    %broadcast_in_dim3A_62 = arith.constant 6 : i32
    %broadcast_in_dim3A_63 = vector.broadcast %broadcast_in_dim3A_62 : i32 to vector<16xi32>
    %broadcast_in_dim3A_64 = arith.constant 7 : i32
    %broadcast_in_dim3A_65 = vector.broadcast %broadcast_in_dim3A_64 : i32 to vector<16xi32>
    %scan3A = arith.constant 0 : i32
    %scan3A_66 = arith.constant 0 : i32
    %scan3A_67 = arith.constant 98 : i32
    %scan3A_68 = arith.addi %scan3A_66, %scan3A_67 : i32
    %scan3A_69 = arith.constant 1 : i32
    %scan3A_70 = scf.for %scan3A_127 = %scan3A_66 to %scan3A_68 step %scan3A_69 iter_args(%scan3A_128 = %scan3A) -> (i32)  : i32 {
      %mul3A_129 = arith.constant 32 : i32
      %mul3A_130 = arith.muli %mul3A_129, %scan3A_127 : i32
      %add3A_131 = arith.addi %add3A, %mul3A_130 : i32
      %lt3A_132 = arith.constant 3125 : i32
      %lt3A_133 = arith.cmpi slt, %add3A_131, %lt3A_132 : i32
      %convert_element_type3A_134 = arith.extui %lt3A_133 : i1 to i32
      %cond3A_135 = arith.constant 0 : i32
      %cond3A_136 = arith.cmpi ne, %convert_element_type3A_134, %cond3A_135 : i32
      scf.if %cond3A_136 {
        %mul3A_138 = arith.constant 1024 : i32
        %mul3A_139 = arith.muli %add3A_131, %mul3A_138 : i32
        %multiple_of3A = tpu.assume_multiple %mul3A_139, 1024 : i32
        %dma_start3A = tpu.memref_slice %arg3[%multiple_of3A] : memref<3200000xi32, #tpu.memory_space<hbm>> -> memref<1024xi32, #tpu.memory_space<hbm>>
        %dma_start3A_140 = tpu.memref_slice %arg3[%multiple_of3A] : memref<3200000xi32, #tpu.memory_space<hbm>> -> memref<1024xi32, #tpu.memory_space<hbm>>
        tpu.enqueue_dma source(%dma_start3A_140 : memref<1024xi32, #tpu.memory_space<hbm>>) target(%arg12 : memref<1024xi32, #tpu.memory_space<vmem>>) target_semaphore(%arg23 : memref<!tpu.dma_semaphore, #tpu.memory_space<semaphore_mem>>)
        %dma_wait3A = tpu.memref_slice %arg3[%multiple_of3A] : memref<3200000xi32, #tpu.memory_space<hbm>> -> memref<1024xi32, #tpu.memory_space<hbm>>
        %dma_wait3A_141 = tpu.memref_slice %arg3[%multiple_of3A] : memref<3200000xi32, #tpu.memory_space<hbm>> -> memref<1024xi32, #tpu.memory_space<hbm>>
        tpu.wait_dma2 semaphore(%arg23 : memref<!tpu.dma_semaphore, #tpu.memory_space<semaphore_mem>>) src(%dma_wait3A_141 : memref<1024xi32, #tpu.memory_space<hbm>>) dst(%arg12 : memref<1024xi32, #tpu.memory_space<vmem>>)
        %dma_start3A_142 = tpu.memref_slice %arg4[%multiple_of3A] : memref<3200000xi32, #tpu.memory_space<hbm>> -> memref<1024xi32, #tpu.memory_space<hbm>>
        %dma_start3A_143 = tpu.memref_slice %arg4[%multiple_of3A] : memref<3200000xi32, #tpu.memory_space<hbm>> -> memref<1024xi32, #tpu.memory_space<hbm>>
        tpu.enqueue_dma source(%dma_start3A_143 : memref<1024xi32, #tpu.memory_space<hbm>>) target(%arg13 : memref<1024xi32, #tpu.memory_space<vmem>>) target_semaphore(%arg23 : memref<!tpu.dma_semaphore, #tpu.memory_space<semaphore_mem>>)
        %dma_wait3A_144 = tpu.memref_slice %arg4[%multiple_of3A] : memref<3200000xi32, #tpu.memory_space<hbm>> -> memref<1024xi32, #tpu.memory_space<hbm>>
        %dma_wait3A_145 = tpu.memref_slice %arg4[%multiple_of3A] : memref<3200000xi32, #tpu.memory_space<hbm>> -> memref<1024xi32, #tpu.memory_space<hbm>>
        tpu.wait_dma2 semaphore(%arg23 : memref<!tpu.dma_semaphore, #tpu.memory_space<semaphore_mem>>) src(%dma_wait3A_145 : memref<1024xi32, #tpu.memory_space<hbm>>) dst(%arg13 : memref<1024xi32, #tpu.memory_space<vmem>>)
        %dma_start3A_146 = tpu.memref_slice %arg5[%multiple_of3A] : memref<3200000xf32, #tpu.memory_space<hbm>> -> memref<1024xf32, #tpu.memory_space<hbm>>
        %dma_start3A_147 = tpu.memref_slice %arg5[%multiple_of3A] : memref<3200000xf32, #tpu.memory_space<hbm>> -> memref<1024xf32, #tpu.memory_space<hbm>>
        tpu.enqueue_dma source(%dma_start3A_147 : memref<1024xf32, #tpu.memory_space<hbm>>) target(%arg14 : memref<1024xf32, #tpu.memory_space<vmem>>) target_semaphore(%arg23 : memref<!tpu.dma_semaphore, #tpu.memory_space<semaphore_mem>>)
        %dma_wait3A_148 = tpu.memref_slice %arg5[%multiple_of3A] : memref<3200000xf32, #tpu.memory_space<hbm>> -> memref<1024xf32, #tpu.memory_space<hbm>>
        %dma_wait3A_149 = tpu.memref_slice %arg5[%multiple_of3A] : memref<3200000xf32, #tpu.memory_space<hbm>> -> memref<1024xf32, #tpu.memory_space<hbm>>
        tpu.wait_dma2 semaphore(%arg23 : memref<!tpu.dma_semaphore, #tpu.memory_space<semaphore_mem>>) src(%dma_wait3A_149 : memref<1024xf32, #tpu.memory_space<hbm>>) dst(%arg14 : memref<1024xf32, #tpu.memory_space<vmem>>)
        %dma_start3A_150 = arith.constant 0 : i32
        %dma_start3A_151 = arith.constant 0 : i32
        %dma_start3A_152 = tpu.memref_slice %arg2[%dma_start3A_150, %dma_start3A_151] : memref<100000x8xf32, #tpu.memory_space<hbm>> -> memref<100000x8xf32, #tpu.memory_space<hbm>>
        tpu.enqueue_indirect_dma source(%dma_start3A_152 : memref<100000x8xf32, #tpu.memory_space<hbm>>) target(%arg15 : memref<1024x8xf32, #tpu.memory_space<vmem>>) offsets(%arg12 : memref<1024xi32, #tpu.memory_space<vmem>>) semaphore(%arg24 : memref<!tpu.dma_semaphore, #tpu.memory_space<semaphore_mem>>)
        %dma_wait3A_153 = arith.constant 0 : i32
        %dma_wait3A_154 = arith.constant 0 : i32
        %dma_wait3A_155 = tpu.memref_slice %arg2[%dma_wait3A_153, %dma_wait3A_154] : memref<100000x8xf32, #tpu.memory_space<hbm>> -> memref<100000x8xf32, #tpu.memory_space<hbm>>
        tpu.wait_indirect_dma semaphore(%arg24 : memref<!tpu.dma_semaphore, #tpu.memory_space<semaphore_mem>>) src(%dma_wait3A_155 : memref<100000x8xf32, #tpu.memory_space<hbm>>) dst(%arg15 : memref<1024x8xf32, #tpu.memory_space<vmem>>)
        %dma_start3A_156 = arith.constant 0 : i32
        %dma_start3A_157 = arith.constant 0 : i32
        %dma_start3A_158 = tpu.memref_slice %arg2[%dma_start3A_156, %dma_start3A_157] : memref<100000x8xf32, #tpu.memory_space<hbm>> -> memref<100000x8xf32, #tpu.memory_space<hbm>>
        tpu.enqueue_indirect_dma source(%dma_start3A_158 : memref<100000x8xf32, #tpu.memory_space<hbm>>) target(%arg16 : memref<1024x8xf32, #tpu.memory_space<vmem>>) offsets(%arg13 : memref<1024xi32, #tpu.memory_space<vmem>>) semaphore(%arg24 : memref<!tpu.dma_semaphore, #tpu.memory_space<semaphore_mem>>)
        %dma_wait3A_159 = arith.constant 0 : i32
        %dma_wait3A_160 = arith.constant 0 : i32
        %dma_wait3A_161 = tpu.memref_slice %arg2[%dma_wait3A_159, %dma_wait3A_160] : memref<100000x8xf32, #tpu.memory_space<hbm>> -> memref<100000x8xf32, #tpu.memory_space<hbm>>
        tpu.wait_indirect_dma semaphore(%arg24 : memref<!tpu.dma_semaphore, #tpu.memory_space<semaphore_mem>>) src(%dma_wait3A_161 : memref<100000x8xf32, #tpu.memory_space<hbm>>) dst(%arg16 : memref<1024x8xf32, #tpu.memory_space<vmem>>)
        %scan3A_162 = arith.constant 0 : i32
        %scan3A_163 = arith.constant 0 : i32
        %scan3A_164 = arith.constant 64 : i32
        %scan3A_165 = arith.addi %scan3A_163, %scan3A_164 : i32
        %scan3A_166 = arith.constant 1 : i32
        %scan3A_167 = scf.for %scan3A_225 = %scan3A_163 to %scan3A_165 step %scan3A_166 iter_args(%scan3A_226 = %scan3A_162) -> (i32)  : i32 {
          %mul3A_227 = arith.constant 16 : i32
          %mul3A_228 = arith.muli %scan3A_225, %mul3A_227 : i32
          %add3A_229 = vector.broadcast %mul3A_228 : i32 to vector<16xi32>
          %add3A_230 = arith.addi %add3A_229, %iota3A : vector<16xi32>
          %jit3A = arith.constant 128 : i32
          %div3A = arith.divsi %mul3A_228, %jit3A : i32
          %sign3A = arith.constant 0 : i32
          %sign3A_231 = arith.cmpi sgt, %mul3A_228, %sign3A : i32
          %sign3A_232 = arith.extui %sign3A_231 : i1 to i32
          %sign3A_233 = arith.constant 0 : i32
          %sign3A_234 = arith.cmpi slt, %mul3A_228, %sign3A_233 : i32
          %sign3A_235 = arith.extui %sign3A_234 : i1 to i32
          %sign3A_236 = arith.subi %sign3A_232, %sign3A_235 : i32
          %sign3A_237 = arith.constant 0 : i32
          %sign3A_238 = arith.cmpi sgt, %jit3A, %sign3A_237 : i32
          %sign3A_239 = arith.extui %sign3A_238 : i1 to i32
          %sign3A_240 = arith.constant 0 : i32
          %sign3A_241 = arith.cmpi slt, %jit3A, %sign3A_240 : i32
          %sign3A_242 = arith.extui %sign3A_241 : i1 to i32
          %sign3A_243 = arith.subi %sign3A_239, %sign3A_242 : i32
          %ne3A = arith.cmpi ne, %sign3A_236, %sign3A_243 : i32
          %rem3A = arith.remsi %mul3A_228, %jit3A : i32
          %ne3A_244 = arith.constant 0 : i32
          %ne3A_245 = arith.cmpi ne, %rem3A, %ne3A_244 : i32
          %and3A = arith.andi %ne3A, %ne3A_245 : i1
          %sub3A = arith.constant 1 : i32
          %sub3A_246 = arith.subi %div3A, %sub3A : i32
          %select_n3A = arith.select %and3A, %sub3A_246, %div3A : i32
          %jit3A_247 = arith.constant 128 : i32
          %eq3A_248 = arith.constant 0 : i32
          %eq3A_249 = arith.cmpi eq, %jit3A_247, %eq3A_248 : i32
          %jit3A_250 = arith.constant 1 : i32
          %select_n3A_251 = arith.select %eq3A_249, %jit3A_250, %jit3A_247 : i32
          %rem3A_252 = arith.remsi %mul3A_228, %select_n3A_251 : i32
          %ne3A_253 = arith.constant 0 : i32
          %ne3A_254 = arith.cmpi ne, %rem3A_252, %ne3A_253 : i32
          %lt3A_255 = arith.constant 0 : i32
          %lt3A_256 = arith.cmpi slt, %rem3A_252, %lt3A_255 : i32
          %lt3A_257 = arith.constant 0 : i32
          %lt3A_258 = arith.cmpi slt, %select_n3A_251, %lt3A_257 : i32
          %ne3A_259 = arith.xori %lt3A_256, %lt3A_258 : i1
          %and3A_260 = arith.andi %ne3A_259, %ne3A_254 : i1
          %add3A_261 = arith.addi %rem3A_252, %select_n3A_251 : i32
          %select_n3A_262 = arith.select %and3A_260, %add3A_261, %rem3A_252 : i32
          %mul3A_263 = arith.constant 512 : i32
          %mul3A_264 = arith.muli %select_n3A, %mul3A_263 : i32
          %add3A_265 = arith.addi %mul3A_264, %select_n3A_262 : i32
          %add3A_266 = vector.broadcast %add3A_265 : i32 to vector<16xi32>
          %add3A_267 = arith.addi %add3A_266, %iota3A : vector<16xi32>
          %mul3A_268 = arith.constant 1024 : i32
          %mul3A_269 = arith.muli %select_n3A, %mul3A_268 : i32
          %add3A_270 = arith.addi %mul3A_269, %select_n3A_262 : i32
          %add3A_271 = vector.broadcast %add3A_270 : i32 to vector<16xi32>
          %add3A_272 = arith.addi %add3A_271, %iota3A : vector<16xi32>
          %gather3A = tpu.vector_load_idx %arg15[%add3A_230, %broadcast_in_dim3A_51] : memref<1024x8xf32, #tpu.memory_space<vmem>>[vector<16xi32>, vector<16xi32>], vector<16xf32>,
          %gather3A_273 = tpu.vector_load_idx %arg15[%add3A_230, %broadcast_in_dim3A_53] : memref<1024x8xf32, #tpu.memory_space<vmem>>[vector<16xi32>, vector<16xi32>], vector<16xf32>,
          %gather3A_274 = tpu.vector_load_idx %arg15[%add3A_230, %broadcast_in_dim3A_55] : memref<1024x8xf32, #tpu.memory_space<vmem>>[vector<16xi32>, vector<16xi32>], vector<16xf32>,
          %gather3A_275 = tpu.vector_load_idx %arg16[%add3A_230, %broadcast_in_dim3A_51] : memref<1024x8xf32, #tpu.memory_space<vmem>>[vector<16xi32>, vector<16xi32>], vector<16xf32>,
          %gather3A_276 = tpu.vector_load_idx %arg16[%add3A_230, %broadcast_in_dim3A_53] : memref<1024x8xf32, #tpu.memory_space<vmem>>[vector<16xi32>, vector<16xi32>], vector<16xf32>,
          %gather3A_277 = tpu.vector_load_idx %arg16[%add3A_230, %broadcast_in_dim3A_55] : memref<1024x8xf32, #tpu.memory_space<vmem>>[vector<16xi32>, vector<16xi32>], vector<16xf32>,
          %get3A = arith.index_cast %mul3A_228 : i32 to index
          %get3A_278 = tpu.vector_load %arg14[%get3A] {strides = array<i32>} : memref<1024xf32, #tpu.memory_space<vmem>>, vector<16xf32>,
          %sub3A_279 = arith.subf %gather3A_275, %gather3A : vector<16xf32>
          %mul3A_280 = arith.mulf %sub3A_279, %get3A_278 : vector<16xf32>
          %sub3A_281 = arith.subf %gather3A_276, %gather3A_273 : vector<16xf32>
          %mul3A_282 = arith.mulf %sub3A_281, %get3A_278 : vector<16xf32>
          %sub3A_283 = arith.subf %gather3A_277, %gather3A_274 : vector<16xf32>
          %mul3A_284 = arith.mulf %sub3A_283, %get3A_278 : vector<16xf32>
          %mul3A_285 = arith.mulf %mul3A_280, %mul3A_280 : vector<16xf32>
          %mul3A_286 = arith.mulf %mul3A_282, %mul3A_282 : vector<16xf32>
          %add3A_287 = arith.addf %mul3A_285, %mul3A_286 : vector<16xf32>
          %mul3A_288 = arith.mulf %mul3A_284, %mul3A_284 : vector<16xf32>
          %add3A_289 = arith.addf %add3A_287, %mul3A_288 : vector<16xf32>
          %gt3A = arith.constant 0.000000e+00 : f32
          %gt3A_290 = vector.broadcast %gt3A : f32 to vector<16xf32>
          %gt3A_291 = arith.cmpf ogt, %add3A_289, %gt3A_290 : vector<16xf32>
          %jit3A_292 = arith.constant 1.000000e+00 : f32
          %broadcast_in_dim3A_293 = vector.broadcast %jit3A_292 : f32 to vector<16xf32>
          %select_n3A_294 = arith.select %gt3A_291, %add3A_289, %broadcast_in_dim3A_293 : vector<16xi1>, vector<16xf32>
          %bitcast_convert_type3A = tpu.bitcast %select_n3A_294 : vector<16xf32> -> vector<16xi32>
          %shift_right_logical3A = arith.constant 1 : i32
          %shift_right_logical3A_295 = vector.broadcast %shift_right_logical3A : i32 to vector<16xi32>
          %shift_right_logical3A_296 = arith.shrui %bitcast_convert_type3A, %shift_right_logical3A_295 : vector<16xi32>
          %sub3A_297 = arith.constant 1597463007 : i32
          %sub3A_298 = vector.broadcast %sub3A_297 : i32 to vector<16xi32>
          %sub3A_299 = arith.subi %sub3A_298, %shift_right_logical3A_296 : vector<16xi32>
          %bitcast_convert_type3A_300 = tpu.bitcast %sub3A_299 : vector<16xi32> -> vector<16xf32>
          %mul3A_301 = arith.constant 5.000000e-01 : f32
          %mul3A_302 = vector.broadcast %mul3A_301 : f32 to vector<16xf32>
          %mul3A_303 = arith.mulf %mul3A_302, %select_n3A_294 : vector<16xf32>
          %mul3A_304 = arith.mulf %mul3A_303, %bitcast_convert_type3A_300 : vector<16xf32>
          %mul3A_305 = arith.mulf %mul3A_304, %bitcast_convert_type3A_300 : vector<16xf32>
          %sub3A_306 = arith.constant 1.500000e+00 : f32
          %sub3A_307 = vector.broadcast %sub3A_306 : f32 to vector<16xf32>
          %sub3A_308 = arith.subf %sub3A_307, %mul3A_305 : vector<16xf32>
          %mul3A_309 = arith.mulf %bitcast_convert_type3A_300, %sub3A_308 : vector<16xf32>
          %mul3A_310 = arith.constant 5.000000e-01 : f32
          %mul3A_311 = vector.broadcast %mul3A_310 : f32 to vector<16xf32>
          %mul3A_312 = arith.mulf %mul3A_311, %select_n3A_294 : vector<16xf32>
          %mul3A_313 = arith.mulf %mul3A_312, %mul3A_309 : vector<16xf32>
          %mul3A_314 = arith.mulf %mul3A_313, %mul3A_309 : vector<16xf32>
          %sub3A_315 = arith.constant 1.500000e+00 : f32
          %sub3A_316 = vector.broadcast %sub3A_315 : f32 to vector<16xf32>
          %sub3A_317 = arith.subf %sub3A_316, %mul3A_314 : vector<16xf32>
          %mul3A_318 = arith.mulf %mul3A_309, %sub3A_317 : vector<16xf32>
          %mul3A_319 = arith.constant 5.000000e-01 : f32
          %mul3A_320 = vector.broadcast %mul3A_319 : f32 to vector<16xf32>
          %mul3A_321 = arith.mulf %mul3A_320, %select_n3A_294 : vector<16xf32>
          %mul3A_322 = arith.mulf %mul3A_321, %mul3A_318 : vector<16xf32>
          %mul3A_323 = arith.mulf %mul3A_322, %mul3A_318 : vector<16xf32>
          %sub3A_324 = arith.constant 1.500000e+00 : f32
          %sub3A_325 = vector.broadcast %sub3A_324 : f32 to vector<16xf32>
          %sub3A_326 = arith.subf %sub3A_325, %mul3A_323 : vector<16xf32>
          %mul3A_327 = arith.mulf %mul3A_318, %sub3A_326 : vector<16xf32>
          %mul3A_328 = arith.mulf %select_n3A_294, %mul3A_327 : vector<16xf32>
          %jit3A_329 = arith.constant 0.000000e+00 : f32
          %broadcast_in_dim3A_330 = vector.broadcast %jit3A_329 : f32 to vector<16xf32>
          %select_n3A_331 = arith.select %gt3A_291, %mul3A_328, %broadcast_in_dim3A_330 : vector<16xi1>, vector<16xf32>
          %mul3A_332 = arith.mulf %select_n3A_331, %get3A_278 : vector<16xf32>
          tpu.vector_store_idx %arg17[%add3A_267], %mul3A_280 : memref<4096xf32, #tpu.memory_space<vmem>>[vector<16xi32>], vector<16xf32>,
          %add3A_333 = arith.constant 128 : i32
          %add3A_334 = vector.broadcast %add3A_333 : i32 to vector<16xi32>
          %add3A_335 = arith.addi %add3A_267, %add3A_334 : vector<16xi32>
          tpu.vector_store_idx %arg17[%add3A_335], %mul3A_282 : memref<4096xf32, #tpu.memory_space<vmem>>[vector<16xi32>], vector<16xf32>,
          %add3A_336 = arith.constant 256 : i32
          %add3A_337 = vector.broadcast %add3A_336 : i32 to vector<16xi32>
          %add3A_338 = arith.addi %add3A_267, %add3A_337 : vector<16xi32>
          tpu.vector_store_idx %arg17[%add3A_338], %mul3A_284 : memref<4096xf32, #tpu.memory_space<vmem>>[vector<16xi32>], vector<16xf32>,
          %add3A_339 = arith.constant 384 : i32
          %add3A_340 = vector.broadcast %add3A_339 : i32 to vector<16xi32>
          %add3A_341 = arith.addi %add3A_267, %add3A_340 : vector<16xi32>
          tpu.vector_store_idx %arg17[%add3A_341], %mul3A_332 : memref<4096xf32, #tpu.memory_space<vmem>>[vector<16xi32>], vector<16xf32>,
          %sub3A_342 = arith.constant 0.000000e+00 : f32
          %sub3A_343 = vector.broadcast %sub3A_342 : f32 to vector<16xf32>
          %sub3A_344 = arith.subf %mul3A_332, %sub3A_343 : vector<16xf32>
          %mul3A_345 = arith.mulf %sub3A_344, %sub3A_344 : vector<16xf32>
          %mul3A_346 = arith.constant -4.49999952 : f32
          %mul3A_347 = vector.broadcast %mul3A_346 : f32 to vector<16xf32>
          %mul3A_348 = arith.mulf %mul3A_347, %mul3A_345 : vector<16xf32>
          %exp3A = math.exp %mul3A_348 : vector<16xf32>
          %mul3A_349 = arith.mulf %exp3A, %get3A_278 : vector<16xf32>
          %add3A_350 = arith.constant 0 : i32
          %add3A_351 = vector.broadcast %add3A_350 : i32 to vector<16xi32>
          %add3A_352 = arith.addi %add3A_272, %add3A_351 : vector<16xi32>
          tpu.vector_store_idx %arg19[%add3A_352], %mul3A_349 : memref<16384xf32, #tpu.memory_space<vmem>>[vector<16xi32>], vector<16xf32>,
          %sub3A_353 = arith.constant 0.333333343 : f32
          %sub3A_354 = vector.broadcast %sub3A_353 : f32 to vector<16xf32>
          %sub3A_355 = arith.subf %mul3A_332, %sub3A_354 : vector<16xf32>
          %mul3A_356 = arith.mulf %sub3A_355, %sub3A_355 : vector<16xf32>
          %mul3A_357 = arith.constant -4.49999952 : f32
          %mul3A_358 = vector.broadcast %mul3A_357 : f32 to vector<16xf32>
          %mul3A_359 = arith.mulf %mul3A_358, %mul3A_356 : vector<16xf32>
          %exp3A_360 = math.exp %mul3A_359 : vector<16xf32>
          %mul3A_361 = arith.mulf %exp3A_360, %get3A_278 : vector<16xf32>
          %add3A_362 = arith.constant 128 : i32
          %add3A_363 = vector.broadcast %add3A_362 : i32 to vector<16xi32>
          %add3A_364 = arith.addi %add3A_272, %add3A_363 : vector<16xi32>
          tpu.vector_store_idx %arg19[%add3A_364], %mul3A_361 : memref<16384xf32, #tpu.memory_space<vmem>>[vector<16xi32>], vector<16xf32>,
          %sub3A_365 = arith.constant 0.666666686 : f32
          %sub3A_366 = vector.broadcast %sub3A_365 : f32 to vector<16xf32>
          %sub3A_367 = arith.subf %mul3A_332, %sub3A_366 : vector<16xf32>
          %mul3A_368 = arith.mulf %sub3A_367, %sub3A_367 : vector<16xf32>
          %mul3A_369 = arith.constant -4.49999952 : f32
          %mul3A_370 = vector.broadcast %mul3A_369 : f32 to vector<16xf32>
          %mul3A_371 = arith.mulf %mul3A_370, %mul3A_368 : vector<16xf32>
          %exp3A_372 = math.exp %mul3A_371 : vector<16xf32>
          %mul3A_373 = arith.mulf %exp3A_372, %get3A_278 : vector<16xf32>
          %add3A_374 = arith.constant 256 : i32
          %add3A_375 = vector.broadcast %add3A_374 : i32 to vector<16xi32>
          %add3A_376 = arith.addi %add3A_272, %add3A_375 : vector<16xi32>
          tpu.vector_store_idx %arg19[%add3A_376], %mul3A_373 : memref<16384xf32, #tpu.memory_space<vmem>>[vector<16xi32>], vector<16xf32>,
          %sub3A_377 = arith.constant 1.000000e+00 : f32
          %sub3A_378 = vector.broadcast %sub3A_377 : f32 to vector<16xf32>
          %sub3A_379 = arith.subf %mul3A_332, %sub3A_378 : vector<16xf32>
          %mul3A_380 = arith.mulf %sub3A_379, %sub3A_379 : vector<16xf32>
          %mul3A_381 = arith.constant -4.49999952 : f32
          %mul3A_382 = vector.broadcast %mul3A_381 : f32 to vector<16xf32>
          %mul3A_383 = arith.mulf %mul3A_382, %mul3A_380 : vector<16xf32>
          %exp3A_384 = math.exp %mul3A_383 : vector<16xf32>
          %mul3A_385 = arith.mulf %exp3A_384, %get3A_278 : vector<16xf32>
          %add3A_386 = arith.constant 384 : i32
          %add3A_387 = vector.broadcast %add3A_386 : i32 to vector<16xi32>
          %add3A_388 = arith.addi %add3A_272, %add3A_387 : vector<16xi32>
          tpu.vector_store_idx %arg19[%add3A_388], %mul3A_385 : memref<16384xf32, #tpu.memory_space<vmem>>[vector<16xi32>], vector<16xf32>,
          %sub3A_389 = arith.constant 1.33333337 : f32
          %sub3A_390 = vector.broadcast %sub3A_389 : f32 to vector<16xf32>
          %sub3A_391 = arith.subf %mul3A_332, %sub3A_390 : vector<16xf32>
          %mul3A_392 = arith.mulf %sub3A_391, %sub3A_391 : vector<16xf32>
          %mul3A_393 = arith.constant -4.49999952 : f32
          %mul3A_394 = vector.broadcast %mul3A_393 : f32 to vector<16xf32>
          %mul3A_395 = arith.mulf %mul3A_394, %mul3A_392 : vector<16xf32>
          %exp3A_396 = math.exp %mul3A_395 : vector<16xf32>
          %mul3A_397 = arith.mulf %exp3A_396, %get3A_278 : vector<16xf32>
          %add3A_398 = arith.constant 512 : i32
          %add3A_399 = vector.broadcast %add3A_398 : i32 to vector<16xi32>
          %add3A_400 = arith.addi %add3A_272, %add3A_399 : vector<16xi32>
          tpu.vector_store_idx %arg19[%add3A_400], %mul3A_397 : memref<16384xf32, #tpu.memory_space<vmem>>[vector<16xi32>], vector<16xf32>,
          %sub3A_401 = arith.constant 1.66666663 : f32
          %sub3A_402 = vector.broadcast %sub3A_401 : f32 to vector<16xf32>
          %sub3A_403 = arith.subf %mul3A_332, %sub3A_402 : vector<16xf32>
          %mul3A_404 = arith.mulf %sub3A_403, %sub3A_403 : vector<16xf32>
          %mul3A_405 = arith.constant -4.49999952 : f32
          %mul3A_406 = vector.broadcast %mul3A_405 : f32 to vector<16xf32>
          %mul3A_407 = arith.mulf %mul3A_406, %mul3A_404 : vector<16xf32>
          %exp3A_408 = math.exp %mul3A_407 : vector<16xf32>
          %mul3A_409 = arith.mulf %exp3A_408, %get3A_278 : vector<16xf32>
          %add3A_410 = arith.constant 640 : i32
          %add3A_411 = vector.broadcast %add3A_410 : i32 to vector<16xi32>
          %add3A_412 = arith.addi %add3A_272, %add3A_411 : vector<16xi32>
          tpu.vector_store_idx %arg19[%add3A_412], %mul3A_409 : memref<16384xf32, #tpu.memory_space<vmem>>[vector<16xi32>], vector<16xf32>,
          %sub3A_413 = arith.constant 2.000000e+00 : f32
          %sub3A_414 = vector.broadcast %sub3A_413 : f32 to vector<16xf32>
          %sub3A_415 = arith.subf %mul3A_332, %sub3A_414 : vector<16xf32>
          %mul3A_416 = arith.mulf %sub3A_415, %sub3A_415 : vector<16xf32>
          %mul3A_417 = arith.constant -4.49999952 : f32
          %mul3A_418 = vector.broadcast %mul3A_417 : f32 to vector<16xf32>
          %mul3A_419 = arith.mulf %mul3A_418, %mul3A_416 : vector<16xf32>
          %exp3A_420 = math.exp %mul3A_419 : vector<16xf32>
          %mul3A_421 = arith.mulf %exp3A_420, %get3A_278 : vector<16xf32>
          %add3A_422 = arith.constant 768 : i32
          %add3A_423 = vector.broadcast %add3A_422 : i32 to vector<16xi32>
          %add3A_424 = arith.addi %add3A_272, %add3A_423 : vector<16xi32>
          tpu.vector_store_idx %arg19[%add3A_424], %mul3A_421 : memref<16384xf32, #tpu.memory_space<vmem>>[vector<16xi32>], vector<16xf32>,
          %sub3A_425 = arith.constant 2.33333325 : f32
          %sub3A_426 = vector.broadcast %sub3A_425 : f32 to vector<16xf32>
          %sub3A_427 = arith.subf %mul3A_332, %sub3A_426 : vector<16xf32>
          %mul3A_428 = arith.mulf %sub3A_427, %sub3A_427 : vector<16xf32>
          %mul3A_429 = arith.constant -4.49999952 : f32
          %mul3A_430 = vector.broadcast %mul3A_429 : f32 to vector<16xf32>
          %mul3A_431 = arith.mulf %mul3A_430, %mul3A_428 : vector<16xf32>
          %exp3A_432 = math.exp %mul3A_431 : vector<16xf32>
          %mul3A_433 = arith.mulf %exp3A_432, %get3A_278 : vector<16xf32>
          %add3A_434 = arith.constant 896 : i32
          %add3A_435 = vector.broadcast %add3A_434 : i32 to vector<16xi32>
          %add3A_436 = arith.addi %add3A_272, %add3A_435 : vector<16xi32>
          tpu.vector_store_idx %arg19[%add3A_436], %mul3A_433 : memref<16384xf32, #tpu.memory_space<vmem>>[vector<16xi32>], vector<16xf32>,
          %sub3A_437 = arith.constant 2.66666675 : f32
          %sub3A_438 = vector.broadcast %sub3A_437 : f32 to vector<16xf32>
          %sub3A_439 = arith.subf %mul3A_332, %sub3A_438 : vector<16xf32>
          %mul3A_440 = arith.mulf %sub3A_439, %sub3A_439 : vector<16xf32>
          %mul3A_441 = arith.constant -4.49999952 : f32
          %mul3A_442 = vector.broadcast %mul3A_441 : f32 to vector<16xf32>
          %mul3A_443 = arith.mulf %mul3A_442, %mul3A_440 : vector<16xf32>
          %exp3A_444 = math.exp %mul3A_443 : vector<16xf32>
          %mul3A_445 = arith.mulf %exp3A_444, %get3A_278 : vector<16xf32>
          %add3A_446 = arith.constant 8192 : i32
          %add3A_447 = vector.broadcast %add3A_446 : i32 to vector<16xi32>
          %add3A_448 = arith.addi %add3A_447, %add3A_272 : vector<16xi32>
          %add3A_449 = arith.constant 0 : i32
          %add3A_450 = vector.broadcast %add3A_449 : i32 to vector<16xi32>
          %add3A_451 = arith.addi %add3A_448, %add3A_450 : vector<16xi32>
          tpu.vector_store_idx %arg19[%add3A_451], %mul3A_445 : memref<16384xf32, #tpu.memory_space<vmem>>[vector<16xi32>], vector<16xf32>,
          %sub3A_452 = arith.constant 3.000000e+00 : f32
          %sub3A_453 = vector.broadcast %sub3A_452 : f32 to vector<16xf32>
          %sub3A_454 = arith.subf %mul3A_332, %sub3A_453 : vector<16xf32>
          %mul3A_455 = arith.mulf %sub3A_454, %sub3A_454 : vector<16xf32>
          %mul3A_456 = arith.constant -4.49999952 : f32
          %mul3A_457 = vector.broadcast %mul3A_456 : f32 to vector<16xf32>
          %mul3A_458 = arith.mulf %mul3A_457, %mul3A_455 : vector<16xf32>
          %exp3A_459 = math.exp %mul3A_458 : vector<16xf32>
          %mul3A_460 = arith.mulf %exp3A_459, %get3A_278 : vector<16xf32>
          %add3A_461 = arith.constant 8192 : i32
          %add3A_462 = vector.broadcast %add3A_461 : i32 to vector<16xi32>
          %add3A_463 = arith.addi %add3A_462, %add3A_272 : vector<16xi32>
          %add3A_464 = arith.constant 128 : i32
          %add3A_465 = vector.broadcast %add3A_464 : i32 to vector<16xi32>
          %add3A_466 = arith.addi %add3A_463, %add3A_465 : vector<16xi32>
          tpu.vector_store_idx %arg19[%add3A_466], %mul3A_460 : memref<16384xf32, #tpu.memory_space<vmem>>[vector<16xi32>], vector<16xf32>,
          %sub3A_467 = arith.constant 3.33333325 : f32
          %sub3A_468 = vector.broadcast %sub3A_467 : f32 to vector<16xf32>
          %sub3A_469 = arith.subf %mul3A_332, %sub3A_468 : vector<16xf32>
          %mul3A_470 = arith.mulf %sub3A_469, %sub3A_469 : vector<16xf32>
          %mul3A_471 = arith.constant -4.49999952 : f32
          %mul3A_472 = vector.broadcast %mul3A_471 : f32 to vector<16xf32>
          %mul3A_473 = arith.mulf %mul3A_472, %mul3A_470 : vector<16xf32>
          %exp3A_474 = math.exp %mul3A_473 : vector<16xf32>
          %mul3A_475 = arith.mulf %exp3A_474, %get3A_278 : vector<16xf32>
          %add3A_476 = arith.constant 8192 : i32
          %add3A_477 = vector.broadcast %add3A_476 : i32 to vector<16xi32>
          %add3A_478 = arith.addi %add3A_477, %add3A_272 : vector<16xi32>
          %add3A_479 = arith.constant 256 : i32
          %add3A_480 = vector.broadcast %add3A_479 : i32 to vector<16xi32>
          %add3A_481 = arith.addi %add3A_478, %add3A_480 : vector<16xi32>
          tpu.vector_store_idx %arg19[%add3A_481], %mul3A_475 : memref<16384xf32, #tpu.memory_space<vmem>>[vector<16xi32>], vector<16xf32>,
          %sub3A_482 = arith.constant 3.66666675 : f32
          %sub3A_483 = vector.broadcast %sub3A_482 : f32 to vector<16xf32>
          %sub3A_484 = arith.subf %mul3A_332, %sub3A_483 : vector<16xf32>
          %mul3A_485 = arith.mulf %sub3A_484, %sub3A_484 : vector<16xf32>
          %mul3A_486 = arith.constant -4.49999952 : f32
          %mul3A_487 = vector.broadcast %mul3A_486 : f32 to vector<16xf32>
          %mul3A_488 = arith.mulf %mul3A_487, %mul3A_485 : vector<16xf32>
          %exp3A_489 = math.exp %mul3A_488 : vector<16xf32>
          %mul3A_490 = arith.mulf %exp3A_489, %get3A_278 : vector<16xf32>
          %add3A_491 = arith.constant 8192 : i32
          %add3A_492 = vector.broadcast %add3A_491 : i32 to vector<16xi32>
          %add3A_493 = arith.addi %add3A_492, %add3A_272 : vector<16xi32>
          %add3A_494 = arith.constant 384 : i32
          %add3A_495 = vector.broadcast %add3A_494 : i32 to vector<16xi32>
          %add3A_496 = arith.addi %add3A_493, %add3A_495 : vector<16xi32>
          tpu.vector_store_idx %arg19[%add3A_496], %mul3A_490 : memref<16384xf32, #tpu.memory_space<vmem>>[vector<16xi32>], vector<16xf32>,
          %sub3A_497 = arith.constant 4.000000e+00 : f32
          %sub3A_498 = vector.broadcast %sub3A_497 : f32 to vector<16xf32>
          %sub3A_499 = arith.subf %mul3A_332, %sub3A_498 : vector<16xf32>
          %mul3A_500 = arith.mulf %sub3A_499, %sub3A_499 : vector<16xf32>
          %mul3A_501 = arith.constant -4.49999952 : f32
          %mul3A_502 = vector.broadcast %mul3A_501 : f32 to vector<16xf32>
          %mul3A_503 = arith.mulf %mul3A_502, %mul3A_500 : vector<16xf32>
          %exp3A_504 = math.exp %mul3A_503 : vector<16xf32>
          %mul3A_505 = arith.mulf %exp3A_504, %get3A_278 : vector<16xf32>
          %add3A_506 = arith.constant 8192 : i32
          %add3A_507 = vector.broadcast %add3A_506 : i32 to vector<16xi32>
          %add3A_508 = arith.addi %add3A_507, %add3A_272 : vector<16xi32>
          %add3A_509 = arith.constant 512 : i32
          %add3A_510 = vector.broadcast %add3A_509 : i32 to vector<16xi32>
          %add3A_511 = arith.addi %add3A_508, %add3A_510 : vector<16xi32>
          tpu.vector_store_idx %arg19[%add3A_511], %mul3A_505 : memref<16384xf32, #tpu.memory_space<vmem>>[vector<16xi32>], vector<16xf32>,
          %sub3A_512 = arith.constant 4.33333349 : f32
          %sub3A_513 = vector.broadcast %sub3A_512 : f32 to vector<16xf32>
          %sub3A_514 = arith.subf %mul3A_332, %sub3A_513 : vector<16xf32>
          %mul3A_515 = arith.mulf %sub3A_514, %sub3A_514 : vector<16xf32>
          %mul3A_516 = arith.constant -4.49999952 : f32
          %mul3A_517 = vector.broadcast %mul3A_516 : f32 to vector<16xf32>
          %mul3A_518 = arith.mulf %mul3A_517, %mul3A_515 : vector<16xf32>
          %exp3A_519 = math.exp %mul3A_518 : vector<16xf32>
          %mul3A_520 = arith.mulf %exp3A_519, %get3A_278 : vector<16xf32>
          %add3A_521 = arith.constant 8192 : i32
          %add3A_522 = vector.broadcast %add3A_521 : i32 to vector<16xi32>
          %add3A_523 = arith.addi %add3A_522, %add3A_272 : vector<16xi32>
          %add3A_524 = arith.constant 640 : i32
          %add3A_525 = vector.broadcast %add3A_524 : i32 to vector<16xi32>
          %add3A_526 = arith.addi %add3A_523, %add3A_525 : vector<16xi32>
          tpu.vector_store_idx %arg19[%add3A_526], %mul3A_520 : memref<16384xf32, #tpu.memory_space<vmem>>[vector<16xi32>], vector<16xf32>,
          %sub3A_527 = arith.constant 4.66666651 : f32
          %sub3A_528 = vector.broadcast %sub3A_527 : f32 to vector<16xf32>
          %sub3A_529 = arith.subf %mul3A_332, %sub3A_528 : vector<16xf32>
          %mul3A_530 = arith.mulf %sub3A_529, %sub3A_529 : vector<16xf32>
          %mul3A_531 = arith.constant -4.49999952 : f32
          %mul3A_532 = vector.broadcast %mul3A_531 : f32 to vector<16xf32>
          %mul3A_533 = arith.mulf %mul3A_532, %mul3A_530 : vector<16xf32>
          %exp3A_534 = math.exp %mul3A_533 : vector<16xf32>
          %mul3A_535 = arith.mulf %exp3A_534, %get3A_278 : vector<16xf32>
          %add3A_536 = arith.constant 8192 : i32
          %add3A_537 = vector.broadcast %add3A_536 : i32 to vector<16xi32>
          %add3A_538 = arith.addi %add3A_537, %add3A_272 : vector<16xi32>
          %add3A_539 = arith.constant 768 : i32
          %add3A_540 = vector.broadcast %add3A_539 : i32 to vector<16xi32>
          %add3A_541 = arith.addi %add3A_538, %add3A_540 : vector<16xi32>
          tpu.vector_store_idx %arg19[%add3A_541], %mul3A_535 : memref<16384xf32, #tpu.memory_space<vmem>>[vector<16xi32>], vector<16xf32>,
          %sub3A_542 = arith.constant 5.000000e+00 : f32
          %sub3A_543 = vector.broadcast %sub3A_542 : f32 to vector<16xf32>
          %sub3A_544 = arith.subf %mul3A_332, %sub3A_543 : vector<16xf32>
          %mul3A_545 = arith.mulf %sub3A_544, %sub3A_544 : vector<16xf32>
          %mul3A_546 = arith.constant -4.49999952 : f32
          %mul3A_547 = vector.broadcast %mul3A_546 : f32 to vector<16xf32>
          %mul3A_548 = arith.mulf %mul3A_547, %mul3A_545 : vector<16xf32>
          %exp3A_549 = math.exp %mul3A_548 : vector<16xf32>
          %mul3A_550 = arith.mulf %exp3A_549, %get3A_278 : vector<16xf32>
          %add3A_551 = arith.constant 8192 : i32
          %add3A_552 = vector.broadcast %add3A_551 : i32 to vector<16xi32>
          %add3A_553 = arith.addi %add3A_552, %add3A_272 : vector<16xi32>
          %add3A_554 = arith.constant 896 : i32
          %add3A_555 = vector.broadcast %add3A_554 : i32 to vector<16xi32>
          %add3A_556 = arith.addi %add3A_553, %add3A_555 : vector<16xi32>
          tpu.vector_store_idx %arg19[%add3A_556], %mul3A_550 : memref<16384xf32, #tpu.memory_space<vmem>>[vector<16xi32>], vector<16xf32>,
          %mul3A_557 = arith.constant 2.000000e-01 : f32
          %mul3A_558 = vector.broadcast %mul3A_557 : f32 to vector<16xf32>
          %mul3A_559 = arith.mulf %mul3A_332, %mul3A_558 : vector<16xf32>
          %broadcast_in_dim3A_560 = arith.constant -9.28671972E-10 : f32
          %broadcast_in_dim3A_561 = vector.broadcast %broadcast_in_dim3A_560 : f32 to vector<16xf32>
          %mul3A_562 = arith.mulf %broadcast_in_dim3A_561, %mul3A_559 : vector<16xf32>
          %add3A_563 = arith.constant 0.00350021455 : f32
          %add3A_564 = vector.broadcast %add3A_563 : f32 to vector<16xf32>
          %add3A_565 = arith.addf %mul3A_562, %add3A_564 : vector<16xf32>
          %mul3A_566 = arith.mulf %add3A_565, %mul3A_559 : vector<16xf32>
          %add3A_567 = arith.constant -0.019251164 : f32
          %add3A_568 = vector.broadcast %add3A_567 : f32 to vector<16xf32>
          %add3A_569 = arith.addf %mul3A_566, %add3A_568 : vector<16xf32>
          %mul3A_570 = arith.mulf %add3A_569, %mul3A_559 : vector<16xf32>
          %add3A_571 = arith.constant 0.00711230841 : f32
          %add3A_572 = vector.broadcast %add3A_571 : f32 to vector<16xf32>
          %add3A_573 = arith.addf %mul3A_570, %add3A_572 : vector<16xf32>
          %mul3A_574 = arith.mulf %add3A_573, %mul3A_559 : vector<16xf32>
          %add3A_575 = arith.constant 0.112378307 : f32
          %add3A_576 = vector.broadcast %add3A_575 : f32 to vector<16xf32>
          %add3A_577 = arith.addf %mul3A_574, %add3A_576 : vector<16xf32>
          %mul3A_578 = arith.mulf %add3A_577, %mul3A_559 : vector<16xf32>
          %add3A_579 = arith.constant 0.0026752376 : f32
          %add3A_580 = vector.broadcast %add3A_579 : f32 to vector<16xf32>
          %add3A_581 = arith.addf %mul3A_578, %add3A_580 : vector<16xf32>
          %mul3A_582 = arith.mulf %add3A_581, %mul3A_559 : vector<16xf32>
          %add3A_583 = arith.constant -0.668553531 : f32
          %add3A_584 = vector.broadcast %add3A_583 : f32 to vector<16xf32>
          %add3A_585 = arith.addf %mul3A_582, %add3A_584 : vector<16xf32>
          %mul3A_586 = arith.mulf %add3A_585, %mul3A_559 : vector<16xf32>
          %add3A_587 = arith.constant 2.12393541E-4 : f32
          %add3A_588 = vector.broadcast %add3A_587 : f32 to vector<16xf32>
          %add3A_589 = arith.addf %mul3A_586, %add3A_588 : vector<16xf32>
          %mul3A_590 = arith.mulf %add3A_589, %mul3A_559 : vector<16xf32>
          %add3A_591 = arith.constant 2.02932477 : f32
          %add3A_592 = vector.broadcast %add3A_591 : f32 to vector<16xf32>
          %add3A_593 = arith.addf %mul3A_590, %add3A_592 : vector<16xf32>
          %mul3A_594 = arith.mulf %add3A_593, %mul3A_559 : vector<16xf32>
          %add3A_595 = arith.constant 2.74922604E-6 : f32
          %add3A_596 = vector.broadcast %add3A_595 : f32 to vector<16xf32>
          %add3A_597 = arith.addf %mul3A_594, %add3A_596 : vector<16xf32>
          %mul3A_598 = arith.mulf %add3A_597, %mul3A_559 : vector<16xf32>
          %add3A_599 = arith.constant -2.46740127 : f32
          %add3A_600 = vector.broadcast %add3A_599 : f32 to vector<16xf32>
          %add3A_601 = arith.addf %mul3A_598, %add3A_600 : vector<16xf32>
          %mul3A_602 = arith.mulf %add3A_601, %mul3A_559 : vector<16xf32>
          %add3A_603 = arith.constant 2.23842211E-9 : f32
          %add3A_604 = vector.broadcast %add3A_603 : f32 to vector<16xf32>
          %add3A_605 = arith.addf %mul3A_602, %add3A_604 : vector<16xf32>
          %mul3A_606 = arith.mulf %add3A_605, %mul3A_559 : vector<16xf32>
          %add3A_607 = arith.constant 1.000000e+00 : f32
          %add3A_608 = vector.broadcast %add3A_607 : f32 to vector<16xf32>
          %add3A_609 = arith.addf %mul3A_606, %add3A_608 : vector<16xf32>
          %lt3A_610 = arith.constant 5.000000e+00 : f32
          %lt3A_611 = vector.broadcast %lt3A_610 : f32 to vector<16xf32>
          %lt3A_612 = arith.cmpf olt, %mul3A_332, %lt3A_611 : vector<16xf32>
          %jit3A_613 = arith.constant 0.000000e+00 : f32
          %broadcast_in_dim3A_614 = vector.broadcast %jit3A_613 : f32 to vector<16xf32>
          %select_n3A_615 = arith.select %lt3A_612, %add3A_609, %broadcast_in_dim3A_614 : vector<16xi1>, vector<16xf32>
          %mul3A_616 = arith.mulf %select_n3A_615, %get3A_278 : vector<16xf32>
          %ne3A_617 = arith.constant 0.000000e+00 : f32
          %ne3A_618 = vector.broadcast %ne3A_617 : f32 to vector<16xf32>
          %ne3A_619 = arith.cmpf one, %mul3A_332, %ne3A_618 : vector<16xf32>
          %jit3A_620 = arith.constant 1.000000e+00 : f32
          %broadcast_in_dim3A_621 = vector.broadcast %jit3A_620 : f32 to vector<16xf32>
          %select_n3A_622 = arith.select %ne3A_619, %mul3A_332, %broadcast_in_dim3A_621 : vector<16xi1>, vector<16xf32>
          %div3A_623 = arith.constant 1.000000e+00 : f32
          %div3A_624 = vector.broadcast %div3A_623 : f32 to vector<16xf32>
          %div3A_625 = arith.divf %div3A_624, %select_n3A_622 : vector<16xf32>
          %mul3A_626 = arith.mulf %mul3A_280, %div3A_625 : vector<16xf32>
          %jit3A_627 = arith.constant 0.000000e+00 : f32
          %broadcast_in_dim3A_628 = vector.broadcast %jit3A_627 : f32 to vector<16xf32>
          %select_n3A_629 = arith.select %ne3A_619, %mul3A_626, %broadcast_in_dim3A_628 : vector<16xi1>, vector<16xf32>
          %mul3A_630 = arith.mulf %select_n3A_629, %get3A_278 : vector<16xf32>
          %mul3A_631 = arith.mulf %mul3A_282, %div3A_625 : vector<16xf32>
          %jit3A_632 = arith.constant 0.000000e+00 : f32
          %broadcast_in_dim3A_633 = vector.broadcast %jit3A_632 : f32 to vector<16xf32>
          %select_n3A_634 = arith.select %ne3A_619, %mul3A_631, %broadcast_in_dim3A_633 : vector<16xi1>, vector<16xf32>
          %mul3A_635 = arith.mulf %select_n3A_634, %get3A_278 : vector<16xf32>
          %mul3A_636 = arith.mulf %mul3A_284, %div3A_625 : vector<16xf32>
          %jit3A_637 = arith.constant 0.000000e+00 : f32
          %broadcast_in_dim3A_638 = vector.broadcast %jit3A_637 : f32 to vector<16xf32>
          %select_n3A_639 = arith.select %ne3A_619, %mul3A_636, %broadcast_in_dim3A_638 : vector<16xi1>, vector<16xf32>
          %mul3A_640 = arith.mulf %select_n3A_639, %get3A_278 : vector<16xf32>
          tpu.vector_store_idx %arg18[%add3A_267], %mul3A_630 : memref<4096xf32, #tpu.memory_space<vmem>>[vector<16xi32>], vector<16xf32>,
          %add3A_641 = arith.constant 128 : i32
          %add3A_642 = vector.broadcast %add3A_641 : i32 to vector<16xi32>
          %add3A_643 = arith.addi %add3A_267, %add3A_642 : vector<16xi32>
          tpu.vector_store_idx %arg18[%add3A_643], %mul3A_635 : memref<4096xf32, #tpu.memory_space<vmem>>[vector<16xi32>], vector<16xf32>,
          %add3A_644 = arith.constant 256 : i32
          %add3A_645 = vector.broadcast %add3A_644 : i32 to vector<16xi32>
          %add3A_646 = arith.addi %add3A_267, %add3A_645 : vector<16xi32>
          tpu.vector_store_idx %arg18[%add3A_646], %mul3A_640 : memref<4096xf32, #tpu.memory_space<vmem>>[vector<16xi32>], vector<16xf32>,
          %add3A_647 = arith.constant 384 : i32
          %add3A_648 = vector.broadcast %add3A_647 : i32 to vector<16xi32>
          %add3A_649 = arith.addi %add3A_267, %add3A_648 : vector<16xi32>
          tpu.vector_store_idx %arg18[%add3A_649], %mul3A_616 : memref<4096xf32, #tpu.memory_space<vmem>>[vector<16xi32>], vector<16xf32>,
          %mul3A_650 = arith.constant 0.488602519 : f32
          %mul3A_651 = vector.broadcast %mul3A_650 : f32 to vector<16xf32>
          %mul3A_652 = arith.mulf %mul3A_651, %mul3A_635 : vector<16xf32>
          %mul3A_653 = arith.mulf %mul3A_652, %get3A_278 : vector<16xf32>
          %mul3A_654 = arith.constant 0.488602519 : f32
          %mul3A_655 = vector.broadcast %mul3A_654 : f32 to vector<16xf32>
          %mul3A_656 = arith.mulf %mul3A_655, %mul3A_640 : vector<16xf32>
          %mul3A_657 = arith.mulf %mul3A_656, %get3A_278 : vector<16xf32>
          %mul3A_658 = arith.constant 0.488602519 : f32
          %mul3A_659 = vector.broadcast %mul3A_658 : f32 to vector<16xf32>
          %mul3A_660 = arith.mulf %mul3A_659, %mul3A_630 : vector<16xf32>
          %mul3A_661 = arith.mulf %mul3A_660, %get3A_278 : vector<16xf32>
          %mul3A_662 = arith.constant 1.09254849 : f32
          %mul3A_663 = vector.broadcast %mul3A_662 : f32 to vector<16xf32>
          %mul3A_664 = arith.mulf %mul3A_663, %mul3A_630 : vector<16xf32>
          %mul3A_665 = arith.mulf %mul3A_664, %mul3A_635 : vector<16xf32>
          %mul3A_666 = arith.mulf %mul3A_665, %get3A_278 : vector<16xf32>
          %mul3A_667 = arith.constant 1.09254849 : f32
          %mul3A_668 = vector.broadcast %mul3A_667 : f32 to vector<16xf32>
          %mul3A_669 = arith.mulf %mul3A_668, %mul3A_635 : vector<16xf32>
          %mul3A_670 = arith.mulf %mul3A_669, %mul3A_640 : vector<16xf32>
          %mul3A_671 = arith.mulf %mul3A_670, %get3A_278 : vector<16xf32>
          %mul3A_672 = arith.constant 3.000000e+00 : f32
          %mul3A_673 = vector.broadcast %mul3A_672 : f32 to vector<16xf32>
          %mul3A_674 = arith.mulf %mul3A_673, %mul3A_640 : vector<16xf32>
          %mul3A_675 = arith.mulf %mul3A_674, %mul3A_640 : vector<16xf32>
          %sub3A_676 = arith.constant 1.000000e+00 : f32
          %sub3A_677 = vector.broadcast %sub3A_676 : f32 to vector<16xf32>
          %sub3A_678 = arith.subf %mul3A_675, %sub3A_677 : vector<16xf32>
          %mul3A_679 = arith.constant 0.31539157 : f32
          %mul3A_680 = vector.broadcast %mul3A_679 : f32 to vector<16xf32>
          %mul3A_681 = arith.mulf %mul3A_680, %sub3A_678 : vector<16xf32>
          %mul3A_682 = arith.mulf %mul3A_681, %get3A_278 : vector<16xf32>
          %mul3A_683 = arith.constant 1.09254849 : f32
          %mul3A_684 = vector.broadcast %mul3A_683 : f32 to vector<16xf32>
          %mul3A_685 = arith.mulf %mul3A_684, %mul3A_630 : vector<16xf32>
          %mul3A_686 = arith.mulf %mul3A_685, %mul3A_640 : vector<16xf32>
          %mul3A_687 = arith.mulf %mul3A_686, %get3A_278 : vector<16xf32>
          %mul3A_688 = arith.mulf %mul3A_630, %mul3A_630 : vector<16xf32>
          %mul3A_689 = arith.mulf %mul3A_635, %mul3A_635 : vector<16xf32>
          %sub3A_690 = arith.subf %mul3A_688, %mul3A_689 : vector<16xf32>
          %mul3A_691 = arith.constant 0.546274245 : f32
          %mul3A_692 = vector.broadcast %mul3A_691 : f32 to vector<16xf32>
          %mul3A_693 = arith.mulf %mul3A_692, %sub3A_690 : vector<16xf32>
          %mul3A_694 = arith.mulf %mul3A_693, %get3A_278 : vector<16xf32>
          %add3A_695 = arith.constant 0 : i32
          %add3A_696 = vector.broadcast %add3A_695 : i32 to vector<16xi32>
          %add3A_697 = arith.addi %add3A_272, %add3A_696 : vector<16xi32>
          tpu.vector_store_idx %arg20[%add3A_697], %mul3A_653 : memref<8192xf32, #tpu.memory_space<vmem>>[vector<16xi32>], vector<16xf32>,
          %mul3A_698 = arith.mulf %mul3A_653, %mul3A_616 : vector<16xf32>
          tpu.vector_store_idx %arg21[%add3A_230, %broadcast_in_dim3A_51], %mul3A_698 : memref<1024x8xf32, #tpu.memory_space<vmem>>[vector<16xi32>, vector<16xi32>], vector<16xf32>,
          %add3A_699 = arith.constant 128 : i32
          %add3A_700 = vector.broadcast %add3A_699 : i32 to vector<16xi32>
          %add3A_701 = arith.addi %add3A_272, %add3A_700 : vector<16xi32>
          tpu.vector_store_idx %arg20[%add3A_701], %mul3A_657 : memref<8192xf32, #tpu.memory_space<vmem>>[vector<16xi32>], vector<16xf32>,
          %mul3A_702 = arith.mulf %mul3A_657, %mul3A_616 : vector<16xf32>
          tpu.vector_store_idx %arg21[%add3A_230, %broadcast_in_dim3A_53], %mul3A_702 : memref<1024x8xf32, #tpu.memory_space<vmem>>[vector<16xi32>, vector<16xi32>], vector<16xf32>,
          %add3A_703 = arith.constant 256 : i32
          %add3A_704 = vector.broadcast %add3A_703 : i32 to vector<16xi32>
          %add3A_705 = arith.addi %add3A_272, %add3A_704 : vector<16xi32>
          tpu.vector_store_idx %arg20[%add3A_705], %mul3A_661 : memref<8192xf32, #tpu.memory_space<vmem>>[vector<16xi32>], vector<16xf32>,
          %mul3A_706 = arith.mulf %mul3A_661, %mul3A_616 : vector<16xf32>
          tpu.vector_store_idx %arg21[%add3A_230, %broadcast_in_dim3A_55], %mul3A_706 : memref<1024x8xf32, #tpu.memory_space<vmem>>[vector<16xi32>, vector<16xi32>], vector<16xf32>,
          %add3A_707 = arith.constant 384 : i32
          %add3A_708 = vector.broadcast %add3A_707 : i32 to vector<16xi32>
          %add3A_709 = arith.addi %add3A_272, %add3A_708 : vector<16xi32>
          tpu.vector_store_idx %arg20[%add3A_709], %mul3A_666 : memref<8192xf32, #tpu.memory_space<vmem>>[vector<16xi32>], vector<16xf32>,
          %mul3A_710 = arith.mulf %mul3A_666, %mul3A_616 : vector<16xf32>
          tpu.vector_store_idx %arg21[%add3A_230, %broadcast_in_dim3A_57], %mul3A_710 : memref<1024x8xf32, #tpu.memory_space<vmem>>[vector<16xi32>, vector<16xi32>], vector<16xf32>,
          %add3A_711 = arith.constant 512 : i32
          %add3A_712 = vector.broadcast %add3A_711 : i32 to vector<16xi32>
          %add3A_713 = arith.addi %add3A_272, %add3A_712 : vector<16xi32>
          tpu.vector_store_idx %arg20[%add3A_713], %mul3A_671 : memref<8192xf32, #tpu.memory_space<vmem>>[vector<16xi32>], vector<16xf32>,
          %mul3A_714 = arith.mulf %mul3A_671, %mul3A_616 : vector<16xf32>
          tpu.vector_store_idx %arg21[%add3A_230, %broadcast_in_dim3A_59], %mul3A_714 : memref<1024x8xf32, #tpu.memory_space<vmem>>[vector<16xi32>, vector<16xi32>], vector<16xf32>,
          %add3A_715 = arith.constant 640 : i32
          %add3A_716 = vector.broadcast %add3A_715 : i32 to vector<16xi32>
          %add3A_717 = arith.addi %add3A_272, %add3A_716 : vector<16xi32>
          tpu.vector_store_idx %arg20[%add3A_717], %mul3A_682 : memref<8192xf32, #tpu.memory_space<vmem>>[vector<16xi32>], vector<16xf32>,
          %mul3A_718 = arith.mulf %mul3A_682, %mul3A_616 : vector<16xf32>
          tpu.vector_store_idx %arg21[%add3A_230, %broadcast_in_dim3A_61], %mul3A_718 : memref<1024x8xf32, #tpu.memory_space<vmem>>[vector<16xi32>, vector<16xi32>], vector<16xf32>,
          %add3A_719 = arith.constant 768 : i32
          %add3A_720 = vector.broadcast %add3A_719 : i32 to vector<16xi32>
          %add3A_721 = arith.addi %add3A_272, %add3A_720 : vector<16xi32>
          tpu.vector_store_idx %arg20[%add3A_721], %mul3A_687 : memref<8192xf32, #tpu.memory_space<vmem>>[vector<16xi32>], vector<16xf32>,
          %mul3A_722 = arith.mulf %mul3A_687, %mul3A_616 : vector<16xf32>
          tpu.vector_store_idx %arg21[%add3A_230, %broadcast_in_dim3A_63], %mul3A_722 : memref<1024x8xf32, #tpu.memory_space<vmem>>[vector<16xi32>, vector<16xi32>], vector<16xf32>,
          %add3A_723 = arith.constant 896 : i32
          %add3A_724 = vector.broadcast %add3A_723 : i32 to vector<16xi32>
          %add3A_725 = arith.addi %add3A_272, %add3A_724 : vector<16xi32>
          tpu.vector_store_idx %arg20[%add3A_725], %mul3A_694 : memref<8192xf32, #tpu.memory_space<vmem>>[vector<16xi32>], vector<16xf32>,
          %mul3A_726 = arith.mulf %mul3A_694, %mul3A_616 : vector<16xf32>
          tpu.vector_store_idx %arg21[%add3A_230, %broadcast_in_dim3A_65], %mul3A_726 : memref<1024x8xf32, #tpu.memory_space<vmem>>[vector<16xi32>, vector<16xi32>], vector<16xf32>,
          %scan3A_727 = arith.constant 0 : i32
          scf.yield %scan3A_727 : i32
        }
        %scan3A_168 = arith.constant 64 : i32
        %mul3A_169 = arith.constant 1024 : i32
        %mul3A_170 = arith.muli %add3A_131, %mul3A_169 : i32
        %multiple_of3A_171 = tpu.assume_multiple %mul3A_170, 1024 : i32
        %mul3A_172 = arith.constant 4096 : i32
        %mul3A_173 = arith.muli %add3A_131, %mul3A_172 : i32
        %multiple_of3A_174 = tpu.assume_multiple %mul3A_173, 4096 : i32
        %mul3A_175 = arith.constant 8192 : i32
        %mul3A_176 = arith.muli %add3A_131, %mul3A_175 : i32
        %multiple_of3A_177 = tpu.assume_multiple %mul3A_176, 8192 : i32
        %mul3A_178 = arith.constant 8192 : i32
        %mul3A_179 = arith.muli %add3A_131, %mul3A_178 : i32
        %add3A_180 = arith.constant 25600000 : i32
        %add3A_181 = arith.addi %add3A_180, %mul3A_179 : i32
        %multiple_of3A_182 = tpu.assume_multiple %add3A_181, 8192 : i32
        %dma_start3A_183 = tpu.memref_slice %arg7[%multiple_of3A_174] : memref<12800000xf32, #tpu.memory_space<hbm>> -> memref<4096xf32, #tpu.memory_space<hbm>>
        %dma_start3A_184 = tpu.memref_slice %arg7[%multiple_of3A_174] : memref<12800000xf32, #tpu.memory_space<hbm>> -> memref<4096xf32, #tpu.memory_space<hbm>>
        tpu.enqueue_dma source(%arg17 : memref<4096xf32, #tpu.memory_space<vmem>>) target(%dma_start3A_184 : memref<4096xf32, #tpu.memory_space<hbm>>) target_semaphore(%arg25 : memref<!tpu.dma_semaphore, #tpu.memory_space<semaphore_mem>>)
        %dma_wait3A_185 = tpu.memref_slice %arg7[%multiple_of3A_174] : memref<12800000xf32, #tpu.memory_space<hbm>> -> memref<4096xf32, #tpu.memory_space<hbm>>
        %dma_wait3A_186 = tpu.memref_slice %arg7[%multiple_of3A_174] : memref<12800000xf32, #tpu.memory_space<hbm>> -> memref<4096xf32, #tpu.memory_space<hbm>>
        tpu.wait_dma2 semaphore(%arg25 : memref<!tpu.dma_semaphore, #tpu.memory_space<semaphore_mem>>) src(%arg17 : memref<4096xf32, #tpu.memory_space<vmem>>) dst(%dma_wait3A_186 : memref<4096xf32, #tpu.memory_space<hbm>>)
        %dma_start3A_187 = tpu.memref_slice %arg8[%multiple_of3A_174] : memref<12800000xf32, #tpu.memory_space<hbm>> -> memref<4096xf32, #tpu.memory_space<hbm>>
        %dma_start3A_188 = tpu.memref_slice %arg8[%multiple_of3A_174] : memref<12800000xf32, #tpu.memory_space<hbm>> -> memref<4096xf32, #tpu.memory_space<hbm>>
        tpu.enqueue_dma source(%arg18 : memref<4096xf32, #tpu.memory_space<vmem>>) target(%dma_start3A_188 : memref<4096xf32, #tpu.memory_space<hbm>>) target_semaphore(%arg25 : memref<!tpu.dma_semaphore, #tpu.memory_space<semaphore_mem>>)
        %dma_wait3A_189 = tpu.memref_slice %arg8[%multiple_of3A_174] : memref<12800000xf32, #tpu.memory_space<hbm>> -> memref<4096xf32, #tpu.memory_space<hbm>>
        %dma_wait3A_190 = tpu.memref_slice %arg8[%multiple_of3A_174] : memref<12800000xf32, #tpu.memory_space<hbm>> -> memref<4096xf32, #tpu.memory_space<hbm>>
        tpu.wait_dma2 semaphore(%arg25 : memref<!tpu.dma_semaphore, #tpu.memory_space<semaphore_mem>>) src(%arg18 : memref<4096xf32, #tpu.memory_space<vmem>>) dst(%dma_wait3A_190 : memref<4096xf32, #tpu.memory_space<hbm>>)
        %dma_start3A_191 = arith.constant 0 : i32
        %dma_start3A_192 = tpu.memref_slice %arg19[%dma_start3A_191] : memref<16384xf32, #tpu.memory_space<vmem>> -> memref<8192xf32, #tpu.memory_space<vmem>>
        %dma_start3A_193 = tpu.memref_slice %arg9[%multiple_of3A_177] : memref<51200000xf32, #tpu.memory_space<hbm>> -> memref<8192xf32, #tpu.memory_space<hbm>>
        %dma_start3A_194 = tpu.memref_slice %arg9[%multiple_of3A_177] : memref<51200000xf32, #tpu.memory_space<hbm>> -> memref<8192xf32, #tpu.memory_space<hbm>>
        %dma_start3A_195 = arith.constant 0 : i32
        %dma_start3A_196 = tpu.memref_slice %arg19[%dma_start3A_195] : memref<16384xf32, #tpu.memory_space<vmem>> -> memref<8192xf32, #tpu.memory_space<vmem>>
        tpu.enqueue_dma source(%dma_start3A_196 : memref<8192xf32, #tpu.memory_space<vmem>>) target(%dma_start3A_194 : memref<8192xf32, #tpu.memory_space<hbm>>) target_semaphore(%arg25 : memref<!tpu.dma_semaphore, #tpu.memory_space<semaphore_mem>>)
        %dma_wait3A_197 = arith.constant 0 : i32
        %dma_wait3A_198 = tpu.memref_slice %arg19[%dma_wait3A_197] : memref<16384xf32, #tpu.memory_space<vmem>> -> memref<8192xf32, #tpu.memory_space<vmem>>
        %dma_wait3A_199 = tpu.memref_slice %arg9[%multiple_of3A_177] : memref<51200000xf32, #tpu.memory_space<hbm>> -> memref<8192xf32, #tpu.memory_space<hbm>>
        %dma_wait3A_200 = tpu.memref_slice %arg9[%multiple_of3A_177] : memref<51200000xf32, #tpu.memory_space<hbm>> -> memref<8192xf32, #tpu.memory_space<hbm>>
        %dma_wait3A_201 = arith.constant 0 : i32
        %dma_wait3A_202 = tpu.memref_slice %arg19[%dma_wait3A_201] : memref<16384xf32, #tpu.memory_space<vmem>> -> memref<8192xf32, #tpu.memory_space<vmem>>
        tpu.wait_dma2 semaphore(%arg25 : memref<!tpu.dma_semaphore, #tpu.memory_space<semaphore_mem>>) src(%dma_wait3A_202 : memref<8192xf32, #tpu.memory_space<vmem>>) dst(%dma_wait3A_200 : memref<8192xf32, #tpu.memory_space<hbm>>)
        %dma_start3A_203 = arith.constant 8192 : i32
        %dma_start3A_204 = tpu.memref_slice %arg19[%dma_start3A_203] : memref<16384xf32, #tpu.memory_space<vmem>> -> memref<8192xf32, #tpu.memory_space<vmem>>
        %dma_start3A_205 = tpu.memref_slice %arg9[%multiple_of3A_182] : memref<51200000xf32, #tpu.memory_space<hbm>> -> memref<8192xf32, #tpu.memory_space<hbm>>
        %dma_start3A_206 = tpu.memref_slice %arg9[%multiple_of3A_182] : memref<51200000xf32, #tpu.memory_space<hbm>> -> memref<8192xf32, #tpu.memory_space<hbm>>
        %dma_start3A_207 = arith.constant 8192 : i32
        %dma_start3A_208 = tpu.memref_slice %arg19[%dma_start3A_207] : memref<16384xf32, #tpu.memory_space<vmem>> -> memref<8192xf32, #tpu.memory_space<vmem>>
        tpu.enqueue_dma source(%dma_start3A_208 : memref<8192xf32, #tpu.memory_space<vmem>>) target(%dma_start3A_206 : memref<8192xf32, #tpu.memory_space<hbm>>) target_semaphore(%arg25 : memref<!tpu.dma_semaphore, #tpu.memory_space<semaphore_mem>>)
        %dma_wait3A_209 = arith.constant 8192 : i32
        %dma_wait3A_210 = tpu.memref_slice %arg19[%dma_wait3A_209] : memref<16384xf32, #tpu.memory_space<vmem>> -> memref<8192xf32, #tpu.memory_space<vmem>>
        %dma_wait3A_211 = tpu.memref_slice %arg9[%multiple_of3A_182] : memref<51200000xf32, #tpu.memory_space<hbm>> -> memref<8192xf32, #tpu.memory_space<hbm>>
        %dma_wait3A_212 = tpu.memref_slice %arg9[%multiple_of3A_182] : memref<51200000xf32, #tpu.memory_space<hbm>> -> memref<8192xf32, #tpu.memory_space<hbm>>
        %dma_wait3A_213 = arith.constant 8192 : i32
        %dma_wait3A_214 = tpu.memref_slice %arg19[%dma_wait3A_213] : memref<16384xf32, #tpu.memory_space<vmem>> -> memref<8192xf32, #tpu.memory_space<vmem>>
        tpu.wait_dma2 semaphore(%arg25 : memref<!tpu.dma_semaphore, #tpu.memory_space<semaphore_mem>>) src(%dma_wait3A_214 : memref<8192xf32, #tpu.memory_space<vmem>>) dst(%dma_wait3A_212 : memref<8192xf32, #tpu.memory_space<hbm>>)
        %dma_start3A_215 = tpu.memref_slice %arg10[%multiple_of3A_177] : memref<25600000xf32, #tpu.memory_space<hbm>> -> memref<8192xf32, #tpu.memory_space<hbm>>
        %dma_start3A_216 = tpu.memref_slice %arg10[%multiple_of3A_177] : memref<25600000xf32, #tpu.memory_space<hbm>> -> memref<8192xf32, #tpu.memory_space<hbm>>
        tpu.enqueue_dma source(%arg20 : memref<8192xf32, #tpu.memory_space<vmem>>) target(%dma_start3A_216 : memref<8192xf32, #tpu.memory_space<hbm>>) target_semaphore(%arg25 : memref<!tpu.dma_semaphore, #tpu.memory_space<semaphore_mem>>)
        %dma_wait3A_217 = tpu.memref_slice %arg10[%multiple_of3A_177] : memref<25600000xf32, #tpu.memory_space<hbm>> -> memref<8192xf32, #tpu.memory_space<hbm>>
        %dma_wait3A_218 = tpu.memref_slice %arg10[%multiple_of3A_177] : memref<25600000xf32, #tpu.memory_space<hbm>> -> memref<8192xf32, #tpu.memory_space<hbm>>
        tpu.wait_dma2 semaphore(%arg25 : memref<!tpu.dma_semaphore, #tpu.memory_space<semaphore_mem>>) src(%arg20 : memref<8192xf32, #tpu.memory_space<vmem>>) dst(%dma_wait3A_218 : memref<8192xf32, #tpu.memory_space<hbm>>)
        %dma_start3A_219 = arith.constant 0 : i32
        %dma_start3A_220 = arith.constant 0 : i32
        %dma_start3A_221 = tpu.memref_slice %arg22[%dma_start3A_219, %dma_start3A_220] : memref<100000x8xf32, #tpu.memory_space<vmem_shared>> -> memref<100000x8xf32, #tpu.memory_space<vmem_shared>>
        tpu.enqueue_indirect_dma source(%arg21 : memref<1024x8xf32, #tpu.memory_space<vmem>>) target(%dma_start3A_221 : memref<100000x8xf32, #tpu.memory_space<vmem_shared>>) offsets(%arg12 : memref<1024xi32, #tpu.memory_space<vmem>>) semaphore(%arg25 : memref<!tpu.dma_semaphore, #tpu.memory_space<semaphore_mem>>) {add = true}
        %dma_wait3A_222 = arith.constant 0 : i32
        %dma_wait3A_223 = arith.constant 0 : i32
        %dma_wait3A_224 = tpu.memref_slice %arg22[%dma_wait3A_222, %dma_wait3A_223] : memref<100000x8xf32, #tpu.memory_space<vmem_shared>> -> memref<100000x8xf32, #tpu.memory_space<vmem_shared>>
        tpu.wait_indirect_dma semaphore(%arg25 : memref<!tpu.dma_semaphore, #tpu.memory_space<semaphore_mem>>) src(%arg21 : memref<1024x8xf32, #tpu.memory_space<vmem>>) dst(%dma_wait3A_224 : memref<100000x8xf32, #tpu.memory_space<vmem_shared>>)
      } else {
      }
      %scan3A_137 = arith.constant 0 : i32
      scf.yield %scan3A_137 : i32
    }
    %scan3A_71 = arith.constant 98 : i32
    %barrier3A_72 = arith.constant 0 : index
    tpu.barrier barrier_id(%barrier3A_72)
    %add3A_73 = arith.constant 0 : i32
    %add3A_74 = arith.addi %arg1, %add3A_73 : i32
    %lt3A_75 = arith.constant 97 : i32
    %lt3A_76 = arith.cmpi slt, %add3A_74, %lt3A_75 : i32
    %convert_element_type3A_77 = arith.extui %lt3A_76 : i1 to i32
    %cond3A_78 = arith.constant 0 : i32
    %cond3A_79 = arith.cmpi ne, %convert_element_type3A_77, %cond3A_78 : i32
    scf.if %cond3A_79 {
      %mul3A_127 = arith.constant 1024 : i32
      %mul3A_128 = arith.muli %add3A_74, %mul3A_127 : i32
      %multiple_of3A = tpu.assume_multiple %mul3A_128, 1024 : i32
      "tpu.region"() ({
        %run_scoped3A = tpu.sem_alloc : memref<!tpu.dma_semaphore, #tpu.memory_space<semaphore_mem>>
        %dma_start3A = arith.constant 0 : i32
        %dma_start3A_129 = tpu.memref_slice %arg22[%multiple_of3A, %dma_start3A] : memref<100000x8xf32, #tpu.memory_space<vmem_shared>> -> memref<1024x8xf32, #tpu.memory_space<vmem_shared>>
        %dma_start3A_130 = arith.constant 0 : i32
        %dma_start3A_131 = tpu.memref_slice %arg22[%multiple_of3A, %dma_start3A_130] : memref<100000x8xf32, #tpu.memory_space<vmem_shared>> -> memref<1024x8xf32, #tpu.memory_space<vmem_shared>>
        tpu.enqueue_dma source(%dma_start3A_131 : memref<1024x8xf32, #tpu.memory_space<vmem_shared>>) target(%arg21 : memref<1024x8xf32, #tpu.memory_space<vmem>>) target_semaphore(%run_scoped3A : memref<!tpu.dma_semaphore, #tpu.memory_space<semaphore_mem>>)
        %dma_wait3A = arith.constant 0 : i32
        %dma_wait3A_132 = tpu.memref_slice %arg22[%multiple_of3A, %dma_wait3A] : memref<100000x8xf32, #tpu.memory_space<vmem_shared>> -> memref<1024x8xf32, #tpu.memory_space<vmem_shared>>
        %dma_wait3A_133 = arith.constant 0 : i32
        %dma_wait3A_134 = tpu.memref_slice %arg22[%multiple_of3A, %dma_wait3A_133] : memref<100000x8xf32, #tpu.memory_space<vmem_shared>> -> memref<1024x8xf32, #tpu.memory_space<vmem_shared>>
        tpu.wait_dma2 semaphore(%run_scoped3A : memref<!tpu.dma_semaphore, #tpu.memory_space<semaphore_mem>>) src(%dma_wait3A_134 : memref<1024x8xf32, #tpu.memory_space<vmem_shared>>) dst(%arg21 : memref<1024x8xf32, #tpu.memory_space<vmem>>)
        tpu.yield
      }) : () -> ()
      "tpu.region"() ({
        %run_scoped3A = tpu.sem_alloc : memref<!tpu.dma_semaphore, #tpu.memory_space<semaphore_mem>>
        %dma_start3A = arith.constant 0 : i32
        %dma_start3A_129 = tpu.memref_slice %arg11[%arg0, %multiple_of3A, %dma_start3A] : memref<2x100000x8xf32, #tpu.memory_space<hbm>> -> memref<1x1024x8xf32, #tpu.memory_space<hbm>>
        %dma_start3A_130 = tpu.memref_squeeze %dma_start3A_129 : memref<1x1024x8xf32, #tpu.memory_space<hbm>> -> memref<1024x8xf32, #tpu.memory_space<hbm>>
        %dma_start3A_131 = arith.constant 0 : i32
        %dma_start3A_132 = tpu.memref_slice %arg11[%arg0, %multiple_of3A, %dma_start3A_131] : memref<2x100000x8xf32, #tpu.memory_space<hbm>> -> memref<1x1024x8xf32, #tpu.memory_space<hbm>>
        %dma_start3A_133 = tpu.memref_squeeze %dma_start3A_132 : memref<1x1024x8xf32, #tpu.memory_space<hbm>> -> memref<1024x8xf32, #tpu.memory_space<hbm>>
        tpu.enqueue_dma source(%arg21 : memref<1024x8xf32, #tpu.memory_space<vmem>>) target(%dma_start3A_133 : memref<1024x8xf32, #tpu.memory_space<hbm>>) target_semaphore(%run_scoped3A : memref<!tpu.dma_semaphore, #tpu.memory_space<semaphore_mem>>)
        %dma_wait3A = arith.constant 0 : i32
        %dma_wait3A_134 = tpu.memref_slice %arg11[%arg0, %multiple_of3A, %dma_wait3A] : memref<2x100000x8xf32, #tpu.memory_space<hbm>> -> memref<1x1024x8xf32, #tpu.memory_space<hbm>>
        %dma_wait3A_135 = tpu.memref_squeeze %dma_wait3A_134 : memref<1x1024x8xf32, #tpu.memory_space<hbm>> -> memref<1024x8xf32, #tpu.memory_space<hbm>>
        %dma_wait3A_136 = arith.constant 0 : i32
        %dma_wait3A_137 = tpu.memref_slice %arg11[%arg0, %multiple_of3A, %dma_wait3A_136] : memref<2x100000x8xf32, #tpu.memory_space<hbm>> -> memref<1x1024x8xf32, #tpu.memory_space<hbm>>
        %dma_wait3A_138 = tpu.memref_squeeze %dma_wait3A_137 : memref<1x1024x8xf32, #tpu.memory_space<hbm>> -> memref<1024x8xf32, #tpu.memory_space<hbm>>
        tpu.wait_dma2 semaphore(%run_scoped3A : memref<!tpu.dma_semaphore, #tpu.memory_space<semaphore_mem>>) src(%arg21 : memref<1024x8xf32, #tpu.memory_space<vmem>>) dst(%dma_wait3A_138 : memref<1024x8xf32, #tpu.memory_space<hbm>>)
        tpu.yield
      }) : () -> ()
    } else {
    }
    %add3A_80 = arith.constant 16 : i32
    %add3A_81 = arith.addi %arg1, %add3A_80 : i32
    %lt3A_82 = arith.constant 97 : i32
    %lt3A_83 = arith.cmpi slt, %add3A_81, %lt3A_82 : i32
    %convert_element_type3A_84 = arith.extui %lt3A_83 : i1 to i32
    %cond3A_85 = arith.constant 0 : i32
    %cond3A_86 = arith.cmpi ne, %convert_element_type3A_84, %cond3A_85 : i32
    scf.if %cond3A_86 {
      %mul3A_127 = arith.constant 1024 : i32
      %mul3A_128 = arith.muli %add3A_81, %mul3A_127 : i32
      %multiple_of3A = tpu.assume_multiple %mul3A_128, 1024 : i32
      "tpu.region"() ({
        %run_scoped3A = tpu.sem_alloc : memref<!tpu.dma_semaphore, #tpu.memory_space<semaphore_mem>>
        %dma_start3A = arith.constant 0 : i32
        %dma_start3A_129 = tpu.memref_slice %arg22[%multiple_of3A, %dma_start3A] : memref<100000x8xf32, #tpu.memory_space<vmem_shared>> -> memref<1024x8xf32, #tpu.memory_space<vmem_shared>>
        %dma_start3A_130 = arith.constant 0 : i32
        %dma_start3A_131 = tpu.memref_slice %arg22[%multiple_of3A, %dma_start3A_130] : memref<100000x8xf32, #tpu.memory_space<vmem_shared>> -> memref<1024x8xf32, #tpu.memory_space<vmem_shared>>
        tpu.enqueue_dma source(%dma_start3A_131 : memref<1024x8xf32, #tpu.memory_space<vmem_shared>>) target(%arg21 : memref<1024x8xf32, #tpu.memory_space<vmem>>) target_semaphore(%run_scoped3A : memref<!tpu.dma_semaphore, #tpu.memory_space<semaphore_mem>>)
        %dma_wait3A = arith.constant 0 : i32
        %dma_wait3A_132 = tpu.memref_slice %arg22[%multiple_of3A, %dma_wait3A] : memref<100000x8xf32, #tpu.memory_space<vmem_shared>> -> memref<1024x8xf32, #tpu.memory_space<vmem_shared>>
        %dma_wait3A_133 = arith.constant 0 : i32
        %dma_wait3A_134 = tpu.memref_slice %arg22[%multiple_of3A, %dma_wait3A_133] : memref<100000x8xf32, #tpu.memory_space<vmem_shared>> -> memref<1024x8xf32, #tpu.memory_space<vmem_shared>>
        tpu.wait_dma2 semaphore(%run_scoped3A : memref<!tpu.dma_semaphore, #tpu.memory_space<semaphore_mem>>) src(%dma_wait3A_134 : memref<1024x8xf32, #tpu.memory_space<vmem_shared>>) dst(%arg21 : memref<1024x8xf32, #tpu.memory_space<vmem>>)
        tpu.yield
      }) : () -> ()
      "tpu.region"() ({
        %run_scoped3A = tpu.sem_alloc : memref<!tpu.dma_semaphore, #tpu.memory_space<semaphore_mem>>
        %dma_start3A = arith.constant 0 : i32
        %dma_start3A_129 = tpu.memref_slice %arg11[%arg0, %multiple_of3A, %dma_start3A] : memref<2x100000x8xf32, #tpu.memory_space<hbm>> -> memref<1x1024x8xf32, #tpu.memory_space<hbm>>
        %dma_start3A_130 = tpu.memref_squeeze %dma_start3A_129 : memref<1x1024x8xf32, #tpu.memory_space<hbm>> -> memref<1024x8xf32, #tpu.memory_space<hbm>>
        %dma_start3A_131 = arith.constant 0 : i32
        %dma_start3A_132 = tpu.memref_slice %arg11[%arg0, %multiple_of3A, %dma_start3A_131] : memref<2x100000x8xf32, #tpu.memory_space<hbm>> -> memref<1x1024x8xf32, #tpu.memory_space<hbm>>
        %dma_start3A_133 = tpu.memref_squeeze %dma_start3A_132 : memref<1x1024x8xf32, #tpu.memory_space<hbm>> -> memref<1024x8xf32, #tpu.memory_space<hbm>>
        tpu.enqueue_dma source(%arg21 : memref<1024x8xf32, #tpu.memory_space<vmem>>) target(%dma_start3A_133 : memref<1024x8xf32, #tpu.memory_space<hbm>>) target_semaphore(%run_scoped3A : memref<!tpu.dma_semaphore, #tpu.memory_space<semaphore_mem>>)
        %dma_wait3A = arith.constant 0 : i32
        %dma_wait3A_134 = tpu.memref_slice %arg11[%arg0, %multiple_of3A, %dma_wait3A] : memref<2x100000x8xf32, #tpu.memory_space<hbm>> -> memref<1x1024x8xf32, #tpu.memory_space<hbm>>
        %dma_wait3A_135 = tpu.memref_squeeze %dma_wait3A_134 : memref<1x1024x8xf32, #tpu.memory_space<hbm>> -> memref<1024x8xf32, #tpu.memory_space<hbm>>
        %dma_wait3A_136 = arith.constant 0 : i32
        %dma_wait3A_137 = tpu.memref_slice %arg11[%arg0, %multiple_of3A, %dma_wait3A_136] : memref<2x100000x8xf32, #tpu.memory_space<hbm>> -> memref<1x1024x8xf32, #tpu.memory_space<hbm>>
        %dma_wait3A_138 = tpu.memref_squeeze %dma_wait3A_137 : memref<1x1024x8xf32, #tpu.memory_space<hbm>> -> memref<1024x8xf32, #tpu.memory_space<hbm>>
        tpu.wait_dma2 semaphore(%run_scoped3A : memref<!tpu.dma_semaphore, #tpu.memory_space<semaphore_mem>>) src(%arg21 : memref<1024x8xf32, #tpu.memory_space<vmem>>) dst(%dma_wait3A_138 : memref<1024x8xf32, #tpu.memory_space<hbm>>)
        tpu.yield
      }) : () -> ()
    } else {
    }
    %add3A_87 = arith.constant 32 : i32
    %add3A_88 = arith.addi %arg1, %add3A_87 : i32
    %lt3A_89 = arith.constant 97 : i32
    %lt3A_90 = arith.cmpi slt, %add3A_88, %lt3A_89 : i32
    %convert_element_type3A_91 = arith.extui %lt3A_90 : i1 to i32
    %cond3A_92 = arith.constant 0 : i32
    %cond3A_93 = arith.cmpi ne, %convert_element_type3A_91, %cond3A_92 : i32
    scf.if %cond3A_93 {
      %mul3A_127 = arith.constant 1024 : i32
      %mul3A_128 = arith.muli %add3A_88, %mul3A_127 : i32
      %multiple_of3A = tpu.assume_multiple %mul3A_128, 1024 : i32
      "tpu.region"() ({
        %run_scoped3A = tpu.sem_alloc : memref<!tpu.dma_semaphore, #tpu.memory_space<semaphore_mem>>
        %dma_start3A = arith.constant 0 : i32
        %dma_start3A_129 = tpu.memref_slice %arg22[%multiple_of3A, %dma_start3A] : memref<100000x8xf32, #tpu.memory_space<vmem_shared>> -> memref<1024x8xf32, #tpu.memory_space<vmem_shared>>
        %dma_start3A_130 = arith.constant 0 : i32
        %dma_start3A_131 = tpu.memref_slice %arg22[%multiple_of3A, %dma_start3A_130] : memref<100000x8xf32, #tpu.memory_space<vmem_shared>> -> memref<1024x8xf32, #tpu.memory_space<vmem_shared>>
        tpu.enqueue_dma source(%dma_start3A_131 : memref<1024x8xf32, #tpu.memory_space<vmem_shared>>) target(%arg21 : memref<1024x8xf32, #tpu.memory_space<vmem>>) target_semaphore(%run_scoped3A : memref<!tpu.dma_semaphore, #tpu.memory_space<semaphore_mem>>)
        %dma_wait3A = arith.constant 0 : i32
        %dma_wait3A_132 = tpu.memref_slice %arg22[%multiple_of3A, %dma_wait3A] : memref<100000x8xf32, #tpu.memory_space<vmem_shared>> -> memref<1024x8xf32, #tpu.memory_space<vmem_shared>>
        %dma_wait3A_133 = arith.constant 0 : i32
        %dma_wait3A_134 = tpu.memref_slice %arg22[%multiple_of3A, %dma_wait3A_133] : memref<100000x8xf32, #tpu.memory_space<vmem_shared>> -> memref<1024x8xf32, #tpu.memory_space<vmem_shared>>
        tpu.wait_dma2 semaphore(%run_scoped3A : memref<!tpu.dma_semaphore, #tpu.memory_space<semaphore_mem>>) src(%dma_wait3A_134 : memref<1024x8xf32, #tpu.memory_space<vmem_shared>>) dst(%arg21 : memref<1024x8xf32, #tpu.memory_space<vmem>>)
        tpu.yield
      }) : () -> ()
      "tpu.region"() ({
        %run_scoped3A = tpu.sem_alloc : memref<!tpu.dma_semaphore, #tpu.memory_space<semaphore_mem>>
        %dma_start3A = arith.constant 0 : i32
        %dma_start3A_129 = tpu.memref_slice %arg11[%arg0, %multiple_of3A, %dma_start3A] : memref<2x100000x8xf32, #tpu.memory_space<hbm>> -> memref<1x1024x8xf32, #tpu.memory_space<hbm>>
        %dma_start3A_130 = tpu.memref_squeeze %dma_start3A_129 : memref<1x1024x8xf32, #tpu.memory_space<hbm>> -> memref<1024x8xf32, #tpu.memory_space<hbm>>
        %dma_start3A_131 = arith.constant 0 : i32
        %dma_start3A_132 = tpu.memref_slice %arg11[%arg0, %multiple_of3A, %dma_start3A_131] : memref<2x100000x8xf32, #tpu.memory_space<hbm>> -> memref<1x1024x8xf32, #tpu.memory_space<hbm>>
        %dma_start3A_133 = tpu.memref_squeeze %dma_start3A_132 : memref<1x1024x8xf32, #tpu.memory_space<hbm>> -> memref<1024x8xf32, #tpu.memory_space<hbm>>
        tpu.enqueue_dma source(%arg21 : memref<1024x8xf32, #tpu.memory_space<vmem>>) target(%dma_start3A_133 : memref<1024x8xf32, #tpu.memory_space<hbm>>) target_semaphore(%run_scoped3A : memref<!tpu.dma_semaphore, #tpu.memory_space<semaphore_mem>>)
        %dma_wait3A = arith.constant 0 : i32
        %dma_wait3A_134 = tpu.memref_slice %arg11[%arg0, %multiple_of3A, %dma_wait3A] : memref<2x100000x8xf32, #tpu.memory_space<hbm>> -> memref<1x1024x8xf32, #tpu.memory_space<hbm>>
        %dma_wait3A_135 = tpu.memref_squeeze %dma_wait3A_134 : memref<1x1024x8xf32, #tpu.memory_space<hbm>> -> memref<1024x8xf32, #tpu.memory_space<hbm>>
        %dma_wait3A_136 = arith.constant 0 : i32
        %dma_wait3A_137 = tpu.memref_slice %arg11[%arg0, %multiple_of3A, %dma_wait3A_136] : memref<2x100000x8xf32, #tpu.memory_space<hbm>> -> memref<1x1024x8xf32, #tpu.memory_space<hbm>>
        %dma_wait3A_138 = tpu.memref_squeeze %dma_wait3A_137 : memref<1x1024x8xf32, #tpu.memory_space<hbm>> -> memref<1024x8xf32, #tpu.memory_space<hbm>>
        tpu.wait_dma2 semaphore(%run_scoped3A : memref<!tpu.dma_semaphore, #tpu.memory_space<semaphore_mem>>) src(%arg21 : memref<1024x8xf32, #tpu.memory_space<vmem>>) dst(%dma_wait3A_138 : memref<1024x8xf32, #tpu.memory_space<hbm>>)
        tpu.yield
      }) : () -> ()
    } else {
    }
    %add3A_94 = arith.constant 48 : i32
    %add3A_95 = arith.addi %arg1, %add3A_94 : i32
    %lt3A_96 = arith.constant 97 : i32
    %lt3A_97 = arith.cmpi slt, %add3A_95, %lt3A_96 : i32
    %convert_element_type3A_98 = arith.extui %lt3A_97 : i1 to i32
    %cond3A_99 = arith.constant 0 : i32
    %cond3A_100 = arith.cmpi ne, %convert_element_type3A_98, %cond3A_99 : i32
    scf.if %cond3A_100 {
      %mul3A_127 = arith.constant 1024 : i32
      %mul3A_128 = arith.muli %add3A_95, %mul3A_127 : i32
      %multiple_of3A = tpu.assume_multiple %mul3A_128, 1024 : i32
      "tpu.region"() ({
        %run_scoped3A = tpu.sem_alloc : memref<!tpu.dma_semaphore, #tpu.memory_space<semaphore_mem>>
        %dma_start3A = arith.constant 0 : i32
        %dma_start3A_129 = tpu.memref_slice %arg22[%multiple_of3A, %dma_start3A] : memref<100000x8xf32, #tpu.memory_space<vmem_shared>> -> memref<1024x8xf32, #tpu.memory_space<vmem_shared>>
        %dma_start3A_130 = arith.constant 0 : i32
        %dma_start3A_131 = tpu.memref_slice %arg22[%multiple_of3A, %dma_start3A_130] : memref<100000x8xf32, #tpu.memory_space<vmem_shared>> -> memref<1024x8xf32, #tpu.memory_space<vmem_shared>>
        tpu.enqueue_dma source(%dma_start3A_131 : memref<1024x8xf32, #tpu.memory_space<vmem_shared>>) target(%arg21 : memref<1024x8xf32, #tpu.memory_space<vmem>>) target_semaphore(%run_scoped3A : memref<!tpu.dma_semaphore, #tpu.memory_space<semaphore_mem>>)
        %dma_wait3A = arith.constant 0 : i32
        %dma_wait3A_132 = tpu.memref_slice %arg22[%multiple_of3A, %dma_wait3A] : memref<100000x8xf32, #tpu.memory_space<vmem_shared>> -> memref<1024x8xf32, #tpu.memory_space<vmem_shared>>
        %dma_wait3A_133 = arith.constant 0 : i32
        %dma_wait3A_134 = tpu.memref_slice %arg22[%multiple_of3A, %dma_wait3A_133] : memref<100000x8xf32, #tpu.memory_space<vmem_shared>> -> memref<1024x8xf32, #tpu.memory_space<vmem_shared>>
        tpu.wait_dma2 semaphore(%run_scoped3A : memref<!tpu.dma_semaphore, #tpu.memory_space<semaphore_mem>>) src(%dma_wait3A_134 : memref<1024x8xf32, #tpu.memory_space<vmem_shared>>) dst(%arg21 : memref<1024x8xf32, #tpu.memory_space<vmem>>)
        tpu.yield
      }) : () -> ()
      "tpu.region"() ({
        %run_scoped3A = tpu.sem_alloc : memref<!tpu.dma_semaphore, #tpu.memory_space<semaphore_mem>>
        %dma_start3A = arith.constant 0 : i32
        %dma_start3A_129 = tpu.memref_slice %arg11[%arg0, %multiple_of3A, %dma_start3A] : memref<2x100000x8xf32, #tpu.memory_space<hbm>> -> memref<1x1024x8xf32, #tpu.memory_space<hbm>>
        %dma_start3A_130 = tpu.memref_squeeze %dma_start3A_129 : memref<1x1024x8xf32, #tpu.memory_space<hbm>> -> memref<1024x8xf32, #tpu.memory_space<hbm>>
        %dma_start3A_131 = arith.constant 0 : i32
        %dma_start3A_132 = tpu.memref_slice %arg11[%arg0, %multiple_of3A, %dma_start3A_131] : memref<2x100000x8xf32, #tpu.memory_space<hbm>> -> memref<1x1024x8xf32, #tpu.memory_space<hbm>>
        %dma_start3A_133 = tpu.memref_squeeze %dma_start3A_132 : memref<1x1024x8xf32, #tpu.memory_space<hbm>> -> memref<1024x8xf32, #tpu.memory_space<hbm>>
        tpu.enqueue_dma source(%arg21 : memref<1024x8xf32, #tpu.memory_space<vmem>>) target(%dma_start3A_133 : memref<1024x8xf32, #tpu.memory_space<hbm>>) target_semaphore(%run_scoped3A : memref<!tpu.dma_semaphore, #tpu.memory_space<semaphore_mem>>)
        %dma_wait3A = arith.constant 0 : i32
        %dma_wait3A_134 = tpu.memref_slice %arg11[%arg0, %multiple_of3A, %dma_wait3A] : memref<2x100000x8xf32, #tpu.memory_space<hbm>> -> memref<1x1024x8xf32, #tpu.memory_space<hbm>>
        %dma_wait3A_135 = tpu.memref_squeeze %dma_wait3A_134 : memref<1x1024x8xf32, #tpu.memory_space<hbm>> -> memref<1024x8xf32, #tpu.memory_space<hbm>>
        %dma_wait3A_136 = arith.constant 0 : i32
        %dma_wait3A_137 = tpu.memref_slice %arg11[%arg0, %multiple_of3A, %dma_wait3A_136] : memref<2x100000x8xf32, #tpu.memory_space<hbm>> -> memref<1x1024x8xf32, #tpu.memory_space<hbm>>
        %dma_wait3A_138 = tpu.memref_squeeze %dma_wait3A_137 : memref<1x1024x8xf32, #tpu.memory_space<hbm>> -> memref<1024x8xf32, #tpu.memory_space<hbm>>
        tpu.wait_dma2 semaphore(%run_scoped3A : memref<!tpu.dma_semaphore, #tpu.memory_space<semaphore_mem>>) src(%arg21 : memref<1024x8xf32, #tpu.memory_space<vmem>>) dst(%dma_wait3A_138 : memref<1024x8xf32, #tpu.memory_space<hbm>>)
        tpu.yield
      }) : () -> ()
    } else {
    }
    %add3A_101 = arith.constant 64 : i32
    %add3A_102 = arith.addi %arg1, %add3A_101 : i32
    %lt3A_103 = arith.constant 97 : i32
    %lt3A_104 = arith.cmpi slt, %add3A_102, %lt3A_103 : i32
    %convert_element_type3A_105 = arith.extui %lt3A_104 : i1 to i32
    %cond3A_106 = arith.constant 0 : i32
    %cond3A_107 = arith.cmpi ne, %convert_element_type3A_105, %cond3A_106 : i32
    scf.if %cond3A_107 {
      %mul3A_127 = arith.constant 1024 : i32
      %mul3A_128 = arith.muli %add3A_102, %mul3A_127 : i32
      %multiple_of3A = tpu.assume_multiple %mul3A_128, 1024 : i32
      "tpu.region"() ({
        %run_scoped3A = tpu.sem_alloc : memref<!tpu.dma_semaphore, #tpu.memory_space<semaphore_mem>>
        %dma_start3A = arith.constant 0 : i32
        %dma_start3A_129 = tpu.memref_slice %arg22[%multiple_of3A, %dma_start3A] : memref<100000x8xf32, #tpu.memory_space<vmem_shared>> -> memref<1024x8xf32, #tpu.memory_space<vmem_shared>>
        %dma_start3A_130 = arith.constant 0 : i32
        %dma_start3A_131 = tpu.memref_slice %arg22[%multiple_of3A, %dma_start3A_130] : memref<100000x8xf32, #tpu.memory_space<vmem_shared>> -> memref<1024x8xf32, #tpu.memory_space<vmem_shared>>
        tpu.enqueue_dma source(%dma_start3A_131 : memref<1024x8xf32, #tpu.memory_space<vmem_shared>>) target(%arg21 : memref<1024x8xf32, #tpu.memory_space<vmem>>) target_semaphore(%run_scoped3A : memref<!tpu.dma_semaphore, #tpu.memory_space<semaphore_mem>>)
        %dma_wait3A = arith.constant 0 : i32
        %dma_wait3A_132 = tpu.memref_slice %arg22[%multiple_of3A, %dma_wait3A] : memref<100000x8xf32, #tpu.memory_space<vmem_shared>> -> memref<1024x8xf32, #tpu.memory_space<vmem_shared>>
        %dma_wait3A_133 = arith.constant 0 : i32
        %dma_wait3A_134 = tpu.memref_slice %arg22[%multiple_of3A, %dma_wait3A_133] : memref<100000x8xf32, #tpu.memory_space<vmem_shared>> -> memref<1024x8xf32, #tpu.memory_space<vmem_shared>>
        tpu.wait_dma2 semaphore(%run_scoped3A : memref<!tpu.dma_semaphore, #tpu.memory_space<semaphore_mem>>) src(%dma_wait3A_134 : memref<1024x8xf32, #tpu.memory_space<vmem_shared>>) dst(%arg21 : memref<1024x8xf32, #tpu.memory_space<vmem>>)
        tpu.yield
      }) : () -> ()
      "tpu.region"() ({
        %run_scoped3A = tpu.sem_alloc : memref<!tpu.dma_semaphore, #tpu.memory_space<semaphore_mem>>
        %dma_start3A = arith.constant 0 : i32
        %dma_start3A_129 = tpu.memref_slice %arg11[%arg0, %multiple_of3A, %dma_start3A] : memref<2x100000x8xf32, #tpu.memory_space<hbm>> -> memref<1x1024x8xf32, #tpu.memory_space<hbm>>
        %dma_start3A_130 = tpu.memref_squeeze %dma_start3A_129 : memref<1x1024x8xf32, #tpu.memory_space<hbm>> -> memref<1024x8xf32, #tpu.memory_space<hbm>>
        %dma_start3A_131 = arith.constant 0 : i32
        %dma_start3A_132 = tpu.memref_slice %arg11[%arg0, %multiple_of3A, %dma_start3A_131] : memref<2x100000x8xf32, #tpu.memory_space<hbm>> -> memref<1x1024x8xf32, #tpu.memory_space<hbm>>
        %dma_start3A_133 = tpu.memref_squeeze %dma_start3A_132 : memref<1x1024x8xf32, #tpu.memory_space<hbm>> -> memref<1024x8xf32, #tpu.memory_space<hbm>>
        tpu.enqueue_dma source(%arg21 : memref<1024x8xf32, #tpu.memory_space<vmem>>) target(%dma_start3A_133 : memref<1024x8xf32, #tpu.memory_space<hbm>>) target_semaphore(%run_scoped3A : memref<!tpu.dma_semaphore, #tpu.memory_space<semaphore_mem>>)
        %dma_wait3A = arith.constant 0 : i32
        %dma_wait3A_134 = tpu.memref_slice %arg11[%arg0, %multiple_of3A, %dma_wait3A] : memref<2x100000x8xf32, #tpu.memory_space<hbm>> -> memref<1x1024x8xf32, #tpu.memory_space<hbm>>
        %dma_wait3A_135 = tpu.memref_squeeze %dma_wait3A_134 : memref<1x1024x8xf32, #tpu.memory_space<hbm>> -> memref<1024x8xf32, #tpu.memory_space<hbm>>
        %dma_wait3A_136 = arith.constant 0 : i32
        %dma_wait3A_137 = tpu.memref_slice %arg11[%arg0, %multiple_of3A, %dma_wait3A_136] : memref<2x100000x8xf32, #tpu.memory_space<hbm>> -> memref<1x1024x8xf32, #tpu.memory_space<hbm>>
        %dma_wait3A_138 = tpu.memref_squeeze %dma_wait3A_137 : memref<1x1024x8xf32, #tpu.memory_space<hbm>> -> memref<1024x8xf32, #tpu.memory_space<hbm>>
        tpu.wait_dma2 semaphore(%run_scoped3A : memref<!tpu.dma_semaphore, #tpu.memory_space<semaphore_mem>>) src(%arg21 : memref<1024x8xf32, #tpu.memory_space<vmem>>) dst(%dma_wait3A_138 : memref<1024x8xf32, #tpu.memory_space<hbm>>)
        tpu.yield
      }) : () -> ()
    } else {
    }
    %add3A_108 = arith.constant 80 : i32
    %add3A_109 = arith.addi %arg1, %add3A_108 : i32
    %lt3A_110 = arith.constant 97 : i32
    %lt3A_111 = arith.cmpi slt, %add3A_109, %lt3A_110 : i32
    %convert_element_type3A_112 = arith.extui %lt3A_111 : i1 to i32
    %cond3A_113 = arith.constant 0 : i32
    %cond3A_114 = arith.cmpi ne, %convert_element_type3A_112, %cond3A_113 : i32
    scf.if %cond3A_114 {
      %mul3A_127 = arith.constant 1024 : i32
      %mul3A_128 = arith.muli %add3A_109, %mul3A_127 : i32
      %multiple_of3A = tpu.assume_multiple %mul3A_128, 1024 : i32
      "tpu.region"() ({
        %run_scoped3A = tpu.sem_alloc : memref<!tpu.dma_semaphore, #tpu.memory_space<semaphore_mem>>
        %dma_start3A = arith.constant 0 : i32
        %dma_start3A_129 = tpu.memref_slice %arg22[%multiple_of3A, %dma_start3A] : memref<100000x8xf32, #tpu.memory_space<vmem_shared>> -> memref<1024x8xf32, #tpu.memory_space<vmem_shared>>
        %dma_start3A_130 = arith.constant 0 : i32
        %dma_start3A_131 = tpu.memref_slice %arg22[%multiple_of3A, %dma_start3A_130] : memref<100000x8xf32, #tpu.memory_space<vmem_shared>> -> memref<1024x8xf32, #tpu.memory_space<vmem_shared>>
        tpu.enqueue_dma source(%dma_start3A_131 : memref<1024x8xf32, #tpu.memory_space<vmem_shared>>) target(%arg21 : memref<1024x8xf32, #tpu.memory_space<vmem>>) target_semaphore(%run_scoped3A : memref<!tpu.dma_semaphore, #tpu.memory_space<semaphore_mem>>)
        %dma_wait3A = arith.constant 0 : i32
        %dma_wait3A_132 = tpu.memref_slice %arg22[%multiple_of3A, %dma_wait3A] : memref<100000x8xf32, #tpu.memory_space<vmem_shared>> -> memref<1024x8xf32, #tpu.memory_space<vmem_shared>>
        %dma_wait3A_133 = arith.constant 0 : i32
        %dma_wait3A_134 = tpu.memref_slice %arg22[%multiple_of3A, %dma_wait3A_133] : memref<100000x8xf32, #tpu.memory_space<vmem_shared>> -> memref<1024x8xf32, #tpu.memory_space<vmem_shared>>
        tpu.wait_dma2 semaphore(%run_scoped3A : memref<!tpu.dma_semaphore, #tpu.memory_space<semaphore_mem>>) src(%dma_wait3A_134 : memref<1024x8xf32, #tpu.memory_space<vmem_shared>>) dst(%arg21 : memref<1024x8xf32, #tpu.memory_space<vmem>>)
        tpu.yield
      }) : () -> ()
      "tpu.region"() ({
        %run_scoped3A = tpu.sem_alloc : memref<!tpu.dma_semaphore, #tpu.memory_space<semaphore_mem>>
        %dma_start3A = arith.constant 0 : i32
        %dma_start3A_129 = tpu.memref_slice %arg11[%arg0, %multiple_of3A, %dma_start3A] : memref<2x100000x8xf32, #tpu.memory_space<hbm>> -> memref<1x1024x8xf32, #tpu.memory_space<hbm>>
        %dma_start3A_130 = tpu.memref_squeeze %dma_start3A_129 : memref<1x1024x8xf32, #tpu.memory_space<hbm>> -> memref<1024x8xf32, #tpu.memory_space<hbm>>
        %dma_start3A_131 = arith.constant 0 : i32
        %dma_start3A_132 = tpu.memref_slice %arg11[%arg0, %multiple_of3A, %dma_start3A_131] : memref<2x100000x8xf32, #tpu.memory_space<hbm>> -> memref<1x1024x8xf32, #tpu.memory_space<hbm>>
        %dma_start3A_133 = tpu.memref_squeeze %dma_start3A_132 : memref<1x1024x8xf32, #tpu.memory_space<hbm>> -> memref<1024x8xf32, #tpu.memory_space<hbm>>
        tpu.enqueue_dma source(%arg21 : memref<1024x8xf32, #tpu.memory_space<vmem>>) target(%dma_start3A_133 : memref<1024x8xf32, #tpu.memory_space<hbm>>) target_semaphore(%run_scoped3A : memref<!tpu.dma_semaphore, #tpu.memory_space<semaphore_mem>>)
        %dma_wait3A = arith.constant 0 : i32
        %dma_wait3A_134 = tpu.memref_slice %arg11[%arg0, %multiple_of3A, %dma_wait3A] : memref<2x100000x8xf32, #tpu.memory_space<hbm>> -> memref<1x1024x8xf32, #tpu.memory_space<hbm>>
        %dma_wait3A_135 = tpu.memref_squeeze %dma_wait3A_134 : memref<1x1024x8xf32, #tpu.memory_space<hbm>> -> memref<1024x8xf32, #tpu.memory_space<hbm>>
        %dma_wait3A_136 = arith.constant 0 : i32
        %dma_wait3A_137 = tpu.memref_slice %arg11[%arg0, %multiple_of3A, %dma_wait3A_136] : memref<2x100000x8xf32, #tpu.memory_space<hbm>> -> memref<1x1024x8xf32, #tpu.memory_space<hbm>>
        %dma_wait3A_138 = tpu.memref_squeeze %dma_wait3A_137 : memref<1x1024x8xf32, #tpu.memory_space<hbm>> -> memref<1024x8xf32, #tpu.memory_space<hbm>>
        tpu.wait_dma2 semaphore(%run_scoped3A : memref<!tpu.dma_semaphore, #tpu.memory_space<semaphore_mem>>) src(%arg21 : memref<1024x8xf32, #tpu.memory_space<vmem>>) dst(%dma_wait3A_138 : memref<1024x8xf32, #tpu.memory_space<hbm>>)
        tpu.yield
      }) : () -> ()
    } else {
    }
    %add3A_115 = arith.constant 96 : i32
    %add3A_116 = arith.addi %arg1, %add3A_115 : i32
    %lt3A_117 = arith.constant 97 : i32
    %lt3A_118 = arith.cmpi slt, %add3A_116, %lt3A_117 : i32
    %convert_element_type3A_119 = arith.extui %lt3A_118 : i1 to i32
    %cond3A_120 = arith.constant 0 : i32
    %cond3A_121 = arith.cmpi ne, %convert_element_type3A_119, %cond3A_120 : i32
    scf.if %cond3A_121 {
      %mul3A_127 = arith.constant 1024 : i32
      %mul3A_128 = arith.muli %add3A_116, %mul3A_127 : i32
      %multiple_of3A = tpu.assume_multiple %mul3A_128, 1024 : i32
      "tpu.region"() ({
        %run_scoped3A = tpu.sem_alloc : memref<!tpu.dma_semaphore, #tpu.memory_space<semaphore_mem>>
        %dma_start3A = arith.constant 0 : i32
        %dma_start3A_129 = tpu.memref_slice %arg22[%multiple_of3A, %dma_start3A] : memref<100000x8xf32, #tpu.memory_space<vmem_shared>> -> memref<1024x8xf32, #tpu.memory_space<vmem_shared>>
        %dma_start3A_130 = arith.constant 0 : i32
        %dma_start3A_131 = tpu.memref_slice %arg22[%multiple_of3A, %dma_start3A_130] : memref<100000x8xf32, #tpu.memory_space<vmem_shared>> -> memref<1024x8xf32, #tpu.memory_space<vmem_shared>>
        tpu.enqueue_dma source(%dma_start3A_131 : memref<1024x8xf32, #tpu.memory_space<vmem_shared>>) target(%arg21 : memref<1024x8xf32, #tpu.memory_space<vmem>>) target_semaphore(%run_scoped3A : memref<!tpu.dma_semaphore, #tpu.memory_space<semaphore_mem>>)
        %dma_wait3A = arith.constant 0 : i32
        %dma_wait3A_132 = tpu.memref_slice %arg22[%multiple_of3A, %dma_wait3A] : memref<100000x8xf32, #tpu.memory_space<vmem_shared>> -> memref<1024x8xf32, #tpu.memory_space<vmem_shared>>
        %dma_wait3A_133 = arith.constant 0 : i32
        %dma_wait3A_134 = tpu.memref_slice %arg22[%multiple_of3A, %dma_wait3A_133] : memref<100000x8xf32, #tpu.memory_space<vmem_shared>> -> memref<1024x8xf32, #tpu.memory_space<vmem_shared>>
        tpu.wait_dma2 semaphore(%run_scoped3A : memref<!tpu.dma_semaphore, #tpu.memory_space<semaphore_mem>>) src(%dma_wait3A_134 : memref<1024x8xf32, #tpu.memory_space<vmem_shared>>) dst(%arg21 : memref<1024x8xf32, #tpu.memory_space<vmem>>)
        tpu.yield
      }) : () -> ()
      "tpu.region"() ({
        %run_scoped3A = tpu.sem_alloc : memref<!tpu.dma_semaphore, #tpu.memory_space<semaphore_mem>>
        %dma_start3A = arith.constant 0 : i32
        %dma_start3A_129 = tpu.memref_slice %arg11[%arg0, %multiple_of3A, %dma_start3A] : memref<2x100000x8xf32, #tpu.memory_space<hbm>> -> memref<1x1024x8xf32, #tpu.memory_space<hbm>>
        %dma_start3A_130 = tpu.memref_squeeze %dma_start3A_129 : memref<1x1024x8xf32, #tpu.memory_space<hbm>> -> memref<1024x8xf32, #tpu.memory_space<hbm>>
        %dma_start3A_131 = arith.constant 0 : i32
        %dma_start3A_132 = tpu.memref_slice %arg11[%arg0, %multiple_of3A, %dma_start3A_131] : memref<2x100000x8xf32, #tpu.memory_space<hbm>> -> memref<1x1024x8xf32, #tpu.memory_space<hbm>>
        %dma_start3A_133 = tpu.memref_squeeze %dma_start3A_132 : memref<1x1024x8xf32, #tpu.memory_space<hbm>> -> memref<1024x8xf32, #tpu.memory_space<hbm>>
        tpu.enqueue_dma source(%arg21 : memref<1024x8xf32, #tpu.memory_space<vmem>>) target(%dma_start3A_133 : memref<1024x8xf32, #tpu.memory_space<hbm>>) target_semaphore(%run_scoped3A : memref<!tpu.dma_semaphore, #tpu.memory_space<semaphore_mem>>)
        %dma_wait3A = arith.constant 0 : i32
        %dma_wait3A_134 = tpu.memref_slice %arg11[%arg0, %multiple_of3A, %dma_wait3A] : memref<2x100000x8xf32, #tpu.memory_space<hbm>> -> memref<1x1024x8xf32, #tpu.memory_space<hbm>>
        %dma_wait3A_135 = tpu.memref_squeeze %dma_wait3A_134 : memref<1x1024x8xf32, #tpu.memory_space<hbm>> -> memref<1024x8xf32, #tpu.memory_space<hbm>>
        %dma_wait3A_136 = arith.constant 0 : i32
        %dma_wait3A_137 = tpu.memref_slice %arg11[%arg0, %multiple_of3A, %dma_wait3A_136] : memref<2x100000x8xf32, #tpu.memory_space<hbm>> -> memref<1x1024x8xf32, #tpu.memory_space<hbm>>
        %dma_wait3A_138 = tpu.memref_squeeze %dma_wait3A_137 : memref<1x1024x8xf32, #tpu.memory_space<hbm>> -> memref<1024x8xf32, #tpu.memory_space<hbm>>
        tpu.wait_dma2 semaphore(%run_scoped3A : memref<!tpu.dma_semaphore, #tpu.memory_space<semaphore_mem>>) src(%arg21 : memref<1024x8xf32, #tpu.memory_space<vmem>>) dst(%dma_wait3A_138 : memref<1024x8xf32, #tpu.memory_space<hbm>>)
        tpu.yield
      }) : () -> ()
    } else {
    }
    %eq3A_122 = arith.constant 15 : i32
    %eq3A_123 = arith.cmpi eq, %arg1, %eq3A_122 : i32
    %convert_element_type3A_124 = arith.extui %eq3A_123 : i1 to i32
    %cond3A_125 = arith.constant 0 : i32
    %cond3A_126 = arith.cmpi ne, %convert_element_type3A_124, %cond3A_125 : i32
    scf.if %cond3A_126 {
      "tpu.region"() ({
        %run_scoped3A = tpu.sem_alloc : memref<!tpu.dma_semaphore, #tpu.memory_space<semaphore_mem>>
        %dma_start3A = arith.constant 0 : i32
        %dma_start3A_127 = arith.constant 0 : i32
        %dma_start3A_128 = tpu.memref_slice %arg21[%dma_start3A, %dma_start3A_127] : memref<1024x8xf32, #tpu.memory_space<vmem>> -> memref<672x8xf32, #tpu.memory_space<vmem>>
        %dma_start3A_129 = arith.constant 99328 : i32
        %dma_start3A_130 = arith.constant 0 : i32
        %dma_start3A_131 = tpu.memref_slice %arg22[%dma_start3A_129, %dma_start3A_130] : memref<100000x8xf32, #tpu.memory_space<vmem_shared>> -> memref<672x8xf32, #tpu.memory_space<vmem_shared>>
        %dma_start3A_132 = arith.constant 0 : i32
        %dma_start3A_133 = arith.constant 0 : i32
        %dma_start3A_134 = tpu.memref_slice %arg21[%dma_start3A_132, %dma_start3A_133] : memref<1024x8xf32, #tpu.memory_space<vmem>> -> memref<672x8xf32, #tpu.memory_space<vmem>>
        %dma_start3A_135 = arith.constant 99328 : i32
        %dma_start3A_136 = arith.constant 0 : i32
        %dma_start3A_137 = tpu.memref_slice %arg22[%dma_start3A_135, %dma_start3A_136] : memref<100000x8xf32, #tpu.memory_space<vmem_shared>> -> memref<672x8xf32, #tpu.memory_space<vmem_shared>>
        tpu.enqueue_dma source(%dma_start3A_137 : memref<672x8xf32, #tpu.memory_space<vmem_shared>>) target(%dma_start3A_134 : memref<672x8xf32, #tpu.memory_space<vmem>>) target_semaphore(%run_scoped3A : memref<!tpu.dma_semaphore, #tpu.memory_space<semaphore_mem>>)
        %dma_wait3A = arith.constant 0 : i32
        %dma_wait3A_138 = arith.constant 0 : i32
        %dma_wait3A_139 = tpu.memref_slice %arg21[%dma_wait3A, %dma_wait3A_138] : memref<1024x8xf32, #tpu.memory_space<vmem>> -> memref<672x8xf32, #tpu.memory_space<vmem>>
        %dma_wait3A_140 = arith.constant 99328 : i32
        %dma_wait3A_141 = arith.constant 0 : i32
        %dma_wait3A_142 = tpu.memref_slice %arg22[%dma_wait3A_140, %dma_wait3A_141] : memref<100000x8xf32, #tpu.memory_space<vmem_shared>> -> memref<672x8xf32, #tpu.memory_space<vmem_shared>>
        %dma_wait3A_143 = arith.constant 0 : i32
        %dma_wait3A_144 = arith.constant 0 : i32
        %dma_wait3A_145 = tpu.memref_slice %arg21[%dma_wait3A_143, %dma_wait3A_144] : memref<1024x8xf32, #tpu.memory_space<vmem>> -> memref<672x8xf32, #tpu.memory_space<vmem>>
        %dma_wait3A_146 = arith.constant 99328 : i32
        %dma_wait3A_147 = arith.constant 0 : i32
        %dma_wait3A_148 = tpu.memref_slice %arg22[%dma_wait3A_146, %dma_wait3A_147] : memref<100000x8xf32, #tpu.memory_space<vmem_shared>> -> memref<672x8xf32, #tpu.memory_space<vmem_shared>>
        tpu.wait_dma2 semaphore(%run_scoped3A : memref<!tpu.dma_semaphore, #tpu.memory_space<semaphore_mem>>) src(%dma_wait3A_148 : memref<672x8xf32, #tpu.memory_space<vmem_shared>>) dst(%dma_wait3A_145 : memref<672x8xf32, #tpu.memory_space<vmem>>)
        tpu.yield
      }) : () -> ()
      "tpu.region"() ({
        %run_scoped3A = tpu.sem_alloc : memref<!tpu.dma_semaphore, #tpu.memory_space<semaphore_mem>>
        %dma_start3A = arith.constant 0 : i32
        %dma_start3A_127 = arith.constant 0 : i32
        %dma_start3A_128 = tpu.memref_slice %arg21[%dma_start3A, %dma_start3A_127] : memref<1024x8xf32, #tpu.memory_space<vmem>> -> memref<672x8xf32, #tpu.memory_space<vmem>>
        %dma_start3A_129 = arith.constant 99328 : i32
        %dma_start3A_130 = arith.constant 0 : i32
        %dma_start3A_131 = tpu.memref_slice %arg11[%arg0, %dma_start3A_129, %dma_start3A_130] : memref<2x100000x8xf32, #tpu.memory_space<hbm>> -> memref<1x672x8xf32, #tpu.memory_space<hbm>>
        %dma_start3A_132 = tpu.memref_squeeze %dma_start3A_131 : memref<1x672x8xf32, #tpu.memory_space<hbm>> -> memref<672x8xf32, #tpu.memory_space<hbm>>
        %dma_start3A_133 = arith.constant 99328 : i32
        %dma_start3A_134 = arith.constant 0 : i32
        %dma_start3A_135 = tpu.memref_slice %arg11[%arg0, %dma_start3A_133, %dma_start3A_134] : memref<2x100000x8xf32, #tpu.memory_space<hbm>> -> memref<1x672x8xf32, #tpu.memory_space<hbm>>
        %dma_start3A_136 = tpu.memref_squeeze %dma_start3A_135 : memref<1x672x8xf32, #tpu.memory_space<hbm>> -> memref<672x8xf32, #tpu.memory_space<hbm>>
        %dma_start3A_137 = arith.constant 0 : i32
        %dma_start3A_138 = arith.constant 0 : i32
        %dma_start3A_139 = tpu.memref_slice %arg21[%dma_start3A_137, %dma_start3A_138] : memref<1024x8xf32, #tpu.memory_space<vmem>> -> memref<672x8xf32, #tpu.memory_space<vmem>>
        tpu.enqueue_dma source(%dma_start3A_139 : memref<672x8xf32, #tpu.memory_space<vmem>>) target(%dma_start3A_136 : memref<672x8xf32, #tpu.memory_space<hbm>>) target_semaphore(%run_scoped3A : memref<!tpu.dma_semaphore, #tpu.memory_space<semaphore_mem>>)
        %dma_wait3A = arith.constant 0 : i32
        %dma_wait3A_140 = arith.constant 0 : i32
        %dma_wait3A_141 = tpu.memref_slice %arg21[%dma_wait3A, %dma_wait3A_140] : memref<1024x8xf32, #tpu.memory_space<vmem>> -> memref<672x8xf32, #tpu.memory_space<vmem>>
        %dma_wait3A_142 = arith.constant 99328 : i32
        %dma_wait3A_143 = arith.constant 0 : i32
        %dma_wait3A_144 = tpu.memref_slice %arg11[%arg0, %dma_wait3A_142, %dma_wait3A_143] : memref<2x100000x8xf32, #tpu.memory_space<hbm>> -> memref<1x672x8xf32, #tpu.memory_space<hbm>>
        %dma_wait3A_145 = tpu.memref_squeeze %dma_wait3A_144 : memref<1x672x8xf32, #tpu.memory_space<hbm>> -> memref<672x8xf32, #tpu.memory_space<hbm>>
        %dma_wait3A_146 = arith.constant 99328 : i32
        %dma_wait3A_147 = arith.constant 0 : i32
        %dma_wait3A_148 = tpu.memref_slice %arg11[%arg0, %dma_wait3A_146, %dma_wait3A_147] : memref<2x100000x8xf32, #tpu.memory_space<hbm>> -> memref<1x672x8xf32, #tpu.memory_space<hbm>>
        %dma_wait3A_149 = tpu.memref_squeeze %dma_wait3A_148 : memref<1x672x8xf32, #tpu.memory_space<hbm>> -> memref<672x8xf32, #tpu.memory_space<hbm>>
        %dma_wait3A_150 = arith.constant 0 : i32
        %dma_wait3A_151 = arith.constant 0 : i32
        %dma_wait3A_152 = tpu.memref_slice %arg21[%dma_wait3A_150, %dma_wait3A_151] : memref<1024x8xf32, #tpu.memory_space<vmem>> -> memref<672x8xf32, #tpu.memory_space<vmem>>
        tpu.wait_dma2 semaphore(%run_scoped3A : memref<!tpu.dma_semaphore, #tpu.memory_space<semaphore_mem>>) src(%dma_wait3A_152 : memref<672x8xf32, #tpu.memory_space<vmem>>) dst(%dma_wait3A_149 : memref<672x8xf32, #tpu.memory_space<hbm>>)
        tpu.yield
      }) : () -> ()
    } else {
    }
    return
  }
}

module attributes {stable_mosaic.version = 14 : i64} {
  func.func @_combine_body(%arg0: memref<2x6250x128xf32, #tpu.memory_space<vmem>>, %arg1: memref<6250x128xf32, #tpu.memory_space<vmem>>, %arg2: memref<6250x128xf32, #tpu.memory_space<vmem>>) attributes {dimension_semantics = [], scalar_prefetch = 0 : i64, scratch_operands = 0 : i64, tpu.core_type = #tpu.core_type<tc>} {
    %get3A = arith.constant 0 : index
    %get3A_0 = arith.constant 0 : index
    %get3A_1 = arith.constant 0 : index
    %get3A_2 = vector.load %arg0[%get3A, %get3A_0, %get3A_1] : memref<2x6250x128xf32, #tpu.memory_space<vmem>>, vector<1x6250x128xf32>
    %get3A_3 = vector.shape_cast %get3A_2 : vector<1x6250x128xf32> to vector<6250x128xf32>
    %get3A_4 = arith.constant 1 : index
    %get3A_5 = arith.constant 0 : index
    %get3A_6 = arith.constant 0 : index
    %get3A_7 = vector.load %arg0[%get3A_4, %get3A_5, %get3A_6] : memref<2x6250x128xf32, #tpu.memory_space<vmem>>, vector<1x6250x128xf32>
    %get3A_8 = vector.shape_cast %get3A_7 : vector<1x6250x128xf32> to vector<6250x128xf32>
    %add3A = arith.addf %get3A_3, %get3A_8 : vector<6250x128xf32>
    %get3A_9 = arith.constant 0 : index
    %get3A_10 = arith.constant 0 : index
    %get3A_11 = vector.load %arg1[%get3A_9, %get3A_10] : memref<6250x128xf32, #tpu.memory_space<vmem>>, vector<6250x128xf32>
    %mul3A = arith.mulf %add3A, %get3A_11 : vector<6250x128xf32>
    %mul3A_12 = arith.constant 1.000000e+00 : f32
    %mul3A_13 = vector.broadcast %mul3A_12 : f32 to vector<6250x128xf32>
    %mul3A_14 = arith.mulf %mul3A, %mul3A_13 : vector<6250x128xf32>
    %swap3A = arith.constant 0 : index
    %swap3A_15 = arith.constant 0 : index
    %swap3A_16 = vector.load %arg2[%swap3A, %swap3A_15] : memref<6250x128xf32, #tpu.memory_space<vmem>>, vector<6250x128xf32>
    tpu.vector_store %arg2[%swap3A, %swap3A_15], %mul3A_14 {strides = array<i32>} : memref<6250x128xf32, #tpu.memory_space<vmem>>, vector<6250x128xf32>,
    return
  }
}

</mosaic_0001>

<sc_bundles>
// kernel: kernel.4.cloned.1.call-start
scs
__scs_entry_jumppad:
0x0: {  	(pc) =	sbr.rel $0x88, $3  }
0x1: {  	(tag) =	ssettag $0x0;
	lr =	simm.s32 $0x1  }
0x2: {  	[smem:$0x3F9C] =	sst lr;
	_ =	strace $0xD0000000  }
0x3: {  	_ = 	snop  }
0x4: {  	_ = 	snop  }
0x5: {  	_ = 	snop  }
0x6: {  	_ = 	snop  }
0x7: {  	_ = 	snop  }
__scs_overlays_trampoline_lowered:
0x8: {  	[smem:$0x3FAB] =	sst s0  }
0x9: {  	[smem:$0x3FAC] =	sst s1  }
0xa: {  	[smem:$0x3FAD] =	sst s2  }
0xb: {  	[smem:$0x3FAE] =	sst s3  }
0xc: {  	[smem:$0x3FAF] =	sst s4  }
0xd: {  	[smem:$0x3FB0] =	sst s5  }
0xe: {  	[smem:$0x3FB1] =	sst s6  }
0xf: {  	[smem:$0x3FB2] =	sst s7  }
0x10: {  	[smem:$0x3FB3] =	sst s8  }
0x11: {  	[smem:$0x3FB4] =	sst s9;
	s0 =	simm.s32 @!p0 $0x0  }
0x12: {  	s1 =	sld [smem:$0x3F9A];
	s0 =	simm.s32 @p0 $0x1  }
0x13: {  	[smem:$0x3FB5] =	sst s0;
	s0 =	simm.s32 @!p1 $0x0  }
0x14: {  	s2 =	sld [smem:$0x3F99];
	s0 =	simm.s32 @p1 $0x1  }
0x15: {  	[smem:$0x3FB6] =	sst s0;
	s0 =	simm.s32 @!p2 $0x0  }
0x16: {  	s3 =	sld [smem:$0x3FDB];
	s0 =	simm.s32 @p2 $0x1  }
0x17: {  	s4 =	simm.s32 $0x1BF5;
	[smem:$0x3FB8] =	sst s0  }
0x18: {  	s0 =	sld [smem:$0x3F9B];
	_ =	swait.ge [sflag:s4], $0x0  }
0x19: {  	s7 =	sld [smem:$0x3F9C]  }
0x1a: {  	s8 =	sadd.s32 $0xFFFFE003, lr  }
0x1b: {  	s9 =	sadd.s32 $0xFFFFFEF7, lr;
	s5 =	simm.s32 $0xFFFFFFFF;
	p2 =	slt.u32 s8, $0xFFFFF086  }
0x1c: {  	p1 =	slt.u32 s9, $0xF7A;
	s5 =	simm.s32 @!p2 $0x0  }
0x1d: {  	s5 =	simm.s32 @p1 $0x1;
	p0 =	seq.s32 s7, s2  }
0x1e: {  	s7 =	smul.u32 @!p0 $0xF7A, s2;
	p2 =	seq.s32 @!p0 s5, $0x0  }
0x1f: {  	s9 =	smul.u32 $0xF7A, s1;
	s8 =	simm.s32 @!p0 $0x1BF5;
	p2 =	por !p2, p0  }
0x20: {  	[sflag:s8] =	ssyncset.s32 @!p0 $0xFFFFF086;
	s6 =	sadd.s32 @!p0 s3, s7;
	s7 =	simm.s32 @!p0 $0x108  }
0x21: {  	s3 =	sadd.s32 s3, s9;
	s6 =	sadd.s32 @!p0 $0x88, s6;
	s7 =	simm.s32 @p2 $0x1082  }
0x22: {  	[simem:s7], [sflag:s8] =	dma.local @!p0 [hbm:s6], $0xF7A  }
0x23: {  	s9 =	sor.u32 $0xD0000000, s2;
	s6 =	simm.s32 $0x108;
	_ =	swait.ge @!p0 [sflag:s8], $0x0  }
0x24: {  	s3 =	sadd.s32 $0x88, s3;
	s6 =	simm.s32 @!p1 $0x1082;
	[sflag:s4] =	ssyncset.s32 $0xFFFFF086  }
0x25: {  	[simem:s6], [sflag:s4] =	dma.local [hbm:s3], $0xF7A  }
0x26: {  	[smem:$0x3F9C] =	sst s1;
	(tag) =	ssettag s2;
	_ =	strace s9  }
0x27: {  	s1 =	sld [smem:$0x3FAC]  }
0x28: {  	s2 =	sld [smem:$0x3FAD]  }
0x29: {  	s4 =	sld [smem:$0x3FAF]  }
0x2a: {  	p0 =	seq.s32 s5, $0x0;
	s5 =	sld [smem:$0x3FB0]  }
0x2b: {  	s6 =	sld [smem:$0x3FB1]  }
0x2c: {  	s7 =	sld [smem:$0x3FB2]  }
0x2d: {  	s3 =	simm.s32 $0x108;
	s8 =	sld [smem:$0x3FB3]  }
0x2e: {  	s3 =	simm.s32 @!p0 $0x1082;
	s9 =	sld [smem:$0x3FB4]  }
0x2f: {  	lr =	sadd.s32 s0, s3;
	s0 =	sld [smem:$0x3FAB]  }
0x30: {  	s3 =	sld [smem:$0x3FAE]  }
0x31: {  	[smem:$0x3FB7] =	sst s10  }
0x32: {  	s10 =	sld [smem:$0x3FB5];
	_ =	sdelay $0x3  }
0x33: {  	p0 =	seq.s32 s10, $0x1;
	s10 =	sld [smem:$0x3FB7];
	_ =	sdelay $0x3  }
0x34: {  	[smem:$0x3FB7] =	sst s10  }
0x35: {  	s10 =	sld [smem:$0x3FB6];
	_ =	sdelay $0x3  }
0x36: {  	p1 =	seq.s32 s10, $0x1;
	s10 =	sld [smem:$0x3FB7];
	_ =	sdelay $0x3  }
0x37: {  	[smem:$0x3FB7] =	sst s10  }
0x38: {  	s10 =	sld [smem:$0x3FB8]  }
0x39: {  	_ = 	snop;
	(pc) =	sbr.ind lr, $3  }
0x3a: {  	_ = 	snop  }
0x3b: {  	_ = 	snop  }
0x3c: {  	p2 =	seq.s32 s10, $0x1;
	s10 =	sld [smem:$0x3FB7]  }
0x3d: {  	_ =	shalt  }
0x3e: {  	_ =	shalt  }
0x3f: {  	_ =	shalt  }
0x40: {  	_ =	shalt  }
0x41: {  	_ =	shalt  }
0x42: {  	_ =	shalt  }
0x43: {  	_ =	shalt  }
0x44: {  	_ =	shalt  }
0x45: {  	_ =	shalt  }
0x46: {  	_ =	shalt  }
0x47: {  	_ =	shalt  }
0x48: {  	_ =	shalt  }
0x49: {  	_ =	shalt  }
0x4a: {  	_ =	shalt  }
0x4b: {  	_ =	shalt  }
0x4c: {  	_ =	shalt  }
0x4d: {  	_ =	shalt  }
0x4e: {  	_ =	shalt  }
0x4f: {  	_ =	shalt  }
0x50: {  	_ =	shalt  }
0x51: {  	_ =	shalt  }
0x52: {  	_ =	shalt  }
0x53: {  	_ =	shalt  }
0x54: {  	_ =	shalt  }
0x55: {  	_ =	shalt  }
0x56: {  	_ =	shalt  }
0x57: {  	_ =	shalt  }
0x58: {  	_ =	shalt  }
0x59: {  	_ =	shalt  }
0x5a: {  	_ =	shalt  }
0x5b: {  	_ =	shalt  }
0x5c: {  	_ =	shalt  }
0x5d: {  	_ =	shalt  }
0x5e: {  	_ =	shalt  }
0x5f: {  	_ =	shalt  }
0x60: {  	_ =	shalt  }
0x61: {  	_ =	shalt  }
0x62: {  	_ =	shalt  }
0x63: {  	_ =	shalt  }
0x64: {  	_ =	shalt  }
0x65: {  	_ =	shalt  }
0x66: {  	_ =	shalt  }
0x67: {  	_ =	shalt  }
0x68: {  	_ =	shalt  }
0x69: {  	_ =	shalt  }
0x6a: {  	_ =	shalt  }
0x6b: {  	_ =	shalt  }
0x6c: {  	_ =	shalt  }
0x6d: {  	_ =	shalt  }
0x6e: {  	_ =	shalt  }
0x6f: {  	_ =	shalt  }
0x70: {  	_ =	shalt  }
0x71: {  	_ =	shalt  }
0x72: {  	_ =	shalt  }
0x73: {  	_ =	shalt  }
0x74: {  	_ =	shalt  }
0x75: {  	_ =	shalt  }
0x76: {  	_ =	shalt  }
0x77: {  	_ =	shalt  }
0x78: {  	_ =	shalt  }
0x79: {  	_ =	shalt  }
0x7a: {  	_ =	shalt  }
0x7b: {  	_ =	shalt  }
0x7c: {  	_ =	shalt  }
0x7d: {  	_ =	shalt  }
0x7e: {  	_ =	shalt  }
0x7f: {  	_ =	shalt  }
0x80: {  	_ =	shalt  }
0x81: {  	_ =	shalt  }
0x82: {  	_ =	shalt  }
0x83: {  	_ =	shalt  }
0x84: {  	_ =	shalt  }
0x85: {  	_ =	shalt  }
0x86: {  	_ =	shalt  }
0x87: {  	_ =	shalt  }
.Lfunc_end0:
.L_simem_size_0:
called_computation_lowered:
.L_overlay_start_0:
0x88: {  	s2 =	sld [smem:$0x3FD9]  }
0x89: {  	s3 =	sld [smem:$0x3FFE];
	_ =	sdelay $0x1  }
0x8a: {  	s1 =	srdreg.scid  }
0x8b: {  	s0 =	sand.u32 $0x1, s1  }
0x8c: {  	s14 =	sshll.u32 s0, $0xA;
	s2 =	sadd.s32 s3, s2  }
0x8d: {  	s2 =	sadd.s32 s2, s14  }
0x8e: {  	[smem:$0x3FC3] =	sst s2  }
0x8f: {  	_ = 	snop  }
0x90: {  	s2 =	sld [smem:$0x3FD0]  }
0x91: {  	s15 =	sld [smem:$0x3FC8]  }
0x92: {  	s4 =	sld [smem:$0x3FC7]  }
0x93: {  	s6 =	simm.s32 $0xA;
	s7 =	simm.s32 $0x10;
	s5 =	sld [smem:$0x3FC6]  }
0x94: {  	[smem:s7], [sflag:s6] =	dma.local [hbm:s2], $0x1  }
0x95: {  	_ =	swait.eq [sflag:s6], $0x1  }
0x96: {  	s16 =	sld [smem:$0x13]  }
0x97: {  	s17 =	sld [smem:$0x14];
	[sflag:s6] =	ssyncset.done $0x0  }
0x98: {  	s8 =	sld [smem:$0x15];
	[sflag:s6] =	ssyncadd.s32 $0xFFFFFFFF  }
0x99: {  	s18 =	sld [smem:$0x16];
	(tm) =	ssettm $0x1  }
0x9a: {  	s9 =	sld [smem:$0x3FFB];
	_ =	sdelay $0x3  }
0x9b: {  	_ =	strace s9  }
0x9c: {  	s9 =	sld [smem:$0x3FFC];
	_ =	sdelay $0x3  }
0x9d: {  	_ =	strace s9  }
0x9e: {  	s9 =	sld [smem:$0x3FFD];
	_ =	sdelay $0x3  }
0x9f: {  	_ =	strace s9  }
0xa0: {  	_ =	strace $0x8FFFFFFF  }
0xa1: {  	s19 =	sld [smem:$0x3FDB];
	_ =	sdelay $0x1  }
0xa2: {  	s10 =	simm.s32 $_scs_section_size  }
0xa3: {  	s11 =	simm.s32 $_size__tile_overlayer_lowered;
	s12 =	simm.s32 $_tile_overlayer_lowered  }
0xa4: {  	s22 =	simm.s32 $0x1BFF;
	s21 =	sshll.u32 s12, $0x1;
	s9 =	sadd.s32 s10, s19  }
0xa5: {  	s13 =	simm.s32 $0x0;
	s20 =	sshll.u32 s11, $0x1;
	s11 =	sadd.s32 s21, s9  }
0xa6: {  	[timem:s13], [sflag:s22] =	dma.local [hbm:s11], s20  }
0xa7: {  	_ =	swait.ge [sflag:s22], s20  }
0xa8: {  	s10 =	ssub.s32 $0x0, s20;
	[sflag:s22] =	ssyncset.done $0x0  }
0xa9: {  	[sflag:s22] =	ssyncadd.s32 s10;
	_ =	sdelay $0x1  }
0xaa: {  	s23 =	simm.s32 $0x1B8B  }
0xab: {  	_ =	swait.ge [sflag:s23], $0x1  }
0xac: {  	[sflag:s23] =	ssyncset.done $0x0  }
0xad: {  	s25 =	simm.s32 $0x1B8E;
	s24 =	sld [smem:$0x3FFE];
	[sflag:s23] =	ssyncadd.s32 $0xFFFFFFFF  }
0xae: {  	s26 =	simm.s32 $execute0_lowered;
	[smem:$0x3FD2] =	sst s25  }
0xaf: {  	s11 =	sshll.u32 s26, $0x1;
	_ =	strace $0x80000046;
	[dreg:$0x1] =	wrdreg $0xFFFFFFFF  }
0xb0: {  	s28 =	simm.s32 $_size_execute0_lowered;
	s9 =	sadd.s32 s9, s11;
	[dreg:$0x0] =	wrdreg $0x0  }
0xb1: {  	s11 =	sshll.u32 s28, $0x1;
	[dreg:$0x2] =	wrdreg s9  }
0xb2: {  	[dreg:$0x3] =	wrdreg s11  }
0xb3: {  	[dreg:$0x4] =	wrdreg $0xC0  }
0xb4: {  	_ =	task [dreg:s13], $0x5FFFF  }
0xb5: {  	[dreg:$0x1] =	wrdreg $0xFFFFFFFF  }
0xb6: {  	[dreg:$0x0] =	wrdreg $0x60  }
0xb7: {  	[dreg:$0x2] =	wrdreg s18  }
0xb8: {  	[dreg:$0x3] =	wrdreg s15  }
0xb9: {  	[dreg:$0x4] =	wrdreg s4  }
0xba: {  	[dreg:$0x5] =	wrdreg s5  }
0xbb: {  	[dreg:$0x6] =	wrdreg s17  }
0xbc: {  	[dreg:$0x7] =	wrdreg s24  }
0xbd: {  	[dreg:$0x8] =	wrdreg s16  }
0xbe: {  	[dreg:$0x9] =	wrdreg s8  }
0xbf: {  	[dreg:$0xa] =	wrdreg $0xEC000  }
0xc0: {  	[dreg:$0xb] =	wrdreg $0x9  }
0xc1: {  	_ =	task.clear_ibuf [dreg:s13], $0xCFFFF;
	_ =	strace $0x90000046  }
0xc2: {  	s29 =	simm.s32 $0x9;
	_ =	strace $0x80000048  }
0xc3: {  	_ =	swait.ge [sflag:s29], $0x1  }
0xc4: {  	[sflag:s29] =	ssyncadd.s32 $0xFFFFFFFF  }
0xc5: {  	_ =	strace $0x90000048  }
0xc6: {  	_ =	sfence  }
0xc7: {  	s30 =	sld [smem:$0x0];
	_ =	sdelay $0x2  }
0xc8: {  	s31 =	sshll.u32 s1, $0xD;
	s1 =	sshrl.u32 s1, $0x2  }
0xc9: {  	s3 =	sand.u32 $0x4000, s31;
	s1 =	sadd.s32 s1, s30  }
0xca: {  	s0 =	sor.u32 s3, s0;
	s1 =	sshll.u32 s1, $0x11  }
0xcb: {  	s0 =	sor.u32 s1, s0  }
0xcc: {  	s0 =	sadd.s32 $0x8F2B, s0  }
0xcd: {  	[sflag:s0] =	ssyncadd.remote.s32 $0x1  }
0xce: {  	_ =	sfence.sel $0xFFFF  }
0xcf: {  	[dreg:$0x0] =	wrdreg $0xFFFFFFFF;
	(pc) =	sbr.abs _section_cstart, $3  }
0xd0: {  	[dreg:$0x1] =	wrdreg $0xFFFFFFFF  }
0xd1: {  	_ =	task.clear_ibuf [dreg:s13], $0x2FFFF;
	_ =	strace $0x9FFFFFFF  }
0xd2: {  	(tm) =	ssettm $0x7FFFFFFF  }
0xd3: {  	_ =	shalt  }
tec
execute0_lowered:
.L_overlay_start_1:
0x0: {  	(tag) =	ssettag $0x1  }
0x1: {  	s0 =	rddreg [dreg:$0x0]  }
0x2: {  	s1 =	rddreg [dreg:$0x5]  }
0x3: {  	s3 =	rddreg [dreg:$0x6]  }
0x4: {  	s8 =	rddreg [dreg:$0x8];
	s9 =	simm.s32 $0x0;
	s4 =	srdreg.scid  }
0x5: {  	s10 =	stileid.u32;
	p1 =	por $0x0, $0x0;
	s28 =	simm.s32 $0x6C00  }
0x6: {  	s29 =	simm.s32 $0x5C00;
	[smem:$0x7FF] =	sst s9;
	s11 =	sadd.s32 $0x30E200, s1  }
0x7: {  	s4 =	sand.u32 $0x1, s4;
	p0 =	seq.s32 s10, $0xF;
	_ =	strace $0x80000047  }
0x8: {  	s5 =	ssub.s32 $0x2, s4;
	s13 =	smul.u32 $0xC3500, s4;
	p2 =	sne.s32 @!p0 s10, $0x0  }
0x9: {  	s12 =	sshrl.u32 s5, $0x1;
	p3 =	por p2, p0;
	p4 =	por !p2, p0  }
0xa: {  	p2 =	sne.s32 s10, $0x0;
	s5 =	ssub.s32 s5, s12;
	s12 =	sshll.u32 s10, $0xD  }
0xb: {  	s14 =	sor.u32 $0x20000, s12;
	s15 =	sor.u32 $0x40000, s12;
	s16 =	sor.u32 $0x60000, s12  }
0xc: {  	s20 =	sor.u32 $0x80000, s12;
	s21 =	sor.u32 $0xA0000, s12;
	s17 =	sadd.s32 s12, s13  }
0xd: {  	s17 =	sshrl.u32 s17, $0x3;
	s18 =	sadd.s32 s13, s14;
	s19 =	sadd.s32 s13, s15  }
0xe: {  	s24 =	sadd.s32 s13, s16;
	s25 =	sadd.s32 s13, s20;
	s26 =	sadd.s32 s13, s21  }
0xf: {  	s13 =	sshrl.u32 s13, $0x3;
	s30 =	sadd.s32 s21, s8;
	s21 =	simm.s32 $0x3  }
0x10: {  	s2 =	sadd.s32 s11, s17;
	s18 =	sshrl.u32 s18, $0x3;
	s19 =	sshrl.u32 s19, $0x3  }
0x11: {  	s17 =	sshrl.u32 s24, $0x3;
	s6 =	sshrl.u32 s25, $0x3;
	s7 =	sshrl.u32 s26, $0x3  }
0x12: {  	s24 =	sadd.s32 s14, s8;
	s25 =	sadd.s32 s15, s8;
	s14 =	simm.s32 $0xC00  }
0x13: {  	s15 =	simm.s32 $0x2;
	[dreg:$0xa] =	wrdreg s2;
	s22 =	sadd.s32 s11, s18  }
0x14: {  	s23 =	sadd.s32 s11, s19;
	s31 =	sadd.s32 s11, s17;
	[dreg:$0x11] =	wrdreg s24  }
0x15: {  	s17 =	sadd.s32 s11, s6;
	s19 =	sadd.s32 s11, s7;
	[dreg:$0x12] =	wrdreg s25  }
0x16: {  	s11 =	sadd.s32 s11, s13;
	s18 =	sadd.s32 $0x187800, s1;
	[dreg:$0xb] =	wrdreg s22  }
0x17: {  	s7 =	sadd.s32 s16, s8;
	s6 =	sadd.s32 s20, s8;
	[dreg:$0xc] =	wrdreg s23  }
0x18: {  	s2 =	sadd.s32 $0xC2000, s8;
	s13 =	simm.s32 $0x400;
	[dreg:$0xd] =	wrdreg s31  }
0x19: {  	s16 =	simm.s32 $0x2C00;
	s20 =	simm.s32 $0xAC00;
	[dreg:$0xe] =	wrdreg s17  }
0x1a: {  	v0 =	vlaneseq.u32;
	[dreg:$0xf] =	wrdreg s19;
	s17 =	sadd.s32 $0xE00, s1;
	s19 =	sshll.u32 s4, $0x4  }
0x1b: {  	v1 =	vmul.u32 $0x8, v0;
	v2 =	vor.u32 $0xFFFFFE78, v0;
	v3 =	vor.u32 $0x80, v0;
	s23 =	sadd.s32 s12, s8;
	s22 =	sadd.s32 $0x18000, s11;
	s26 =	sadd.s32 $0x18400, s11  }
.Ltmp0:
0x1c: {  	v4 =	vor.u32 $0x100, v0;
	v5 =	vor.u32 $0x180, v0;
	v6 =	vor.u32 $0xFFFFFC78, v0;
	s31 =	smax.u32 s5, $0x1;
	[dreg:$0x16] =	wrdreg s2;
	(pc) =	sbr.rel .LBB2_1-.Ltmp0, $4  }
0x1d: {  	v7 =	vor.u32 $0x200, v0;
	v8 =	vor.u32 $0x280, v0;
	v9 =	vor.u32 $0x300, v0;
	s8 =	sadd.s32 $0xC0000, s8;
	s4 =	sadd.s32 $0x30D400, s3;
	[dreg:$0x13] =	wrdreg s22  }
0x1e: {  	v10 =	vor.u32 $0x380, v0;
	v11 =	vor.u32 $0x2000, v0;
	v12 =	vor.u32 $0x2080, v0;
	s5 =	simm.s32 $0xCC00;
	s11 =	simm.s32 $0x4;
	[dreg:$0x14] =	wrdreg s26  }
0x1f: {  	v13 =	vor.u32 $0x2100, v0;
	v14 =	vor.u32 $0x2180, v0;
	v15 =	vor.u32 $0x2200, v0;
	s12 =	simm.s32 $0x1;
	s3 =	simm.s32 $0x0;
	[dreg:$0x15] =	wrdreg s31  }
0x20: {  	v16 =	vor.u32 $0x2280, v0;
	v17 =	vor.u32 $0x2300, v0;
	v18 =	vor.u32 $0x2380, v0;
	s26 =	simm.s32 $0x4C00;
	s22 =	smov.u32 s8;
	[dreg:$0x10] =	wrdreg s23  }
.LBB2_7:
0x21: {  	[bflag:$0x0] =	sbarrier.arrive $0xFFFF  }
0x22: {  	s23 =	rddreg [dreg:$0x10]  }
0x23: {  	[tilespmem:s5], [sflag:$0x4] =	stream.linear.gather [spmem:s23], $0x2000, $0x38;
	[tilespmem:$0x1AF50] =	vst v63  }
0x24: {  	_ =	swait.ge [sflag:s11], $0x2000  }
0x25: {  	[sflag:s11] =	ssyncset.done $0x0  }
0x26: {  	s1 =	rddreg [dreg:$0xa];
	[sflag:s11] =	ssyncadd.s32 $0xFFFFE000  }
0x27: {  	[hbm4b:s1+s9] =	stream.linear.scatter [tilespmem:s5], [sflag:$0x4], $0x2000, $0x38;
	[tilespmem:$0x1AF50] =	vst v63  }
0x28: {  	_ =	swait.ge [sflag:s11], $0x2000  }
0x29: {  	[sflag:s11] =	ssyncset.done $0x0  }
0x2a: {  	s24 =	rddreg [dreg:$0x11];
	[sflag:s11] =	ssyncadd.s32 $0xFFFFE000  }
0x2b: {  	[tilespmem:s5], [sflag:$0x4] =	stream.linear.gather [spmem:s24], $0x2000, $0x38;
	[tilespmem:$0x1AF50] =	vst v63  }
0x2c: {  	_ =	swait.ge [sflag:s11], $0x2000  }
0x2d: {  	[sflag:s11] =	ssyncset.done $0x0  }
0x2e: {  	s25 =	rddreg [dreg:$0xb];
	[sflag:s11] =	ssyncadd.s32 $0xFFFFE000  }
0x2f: {  	[hbm4b:s25+s9] =	stream.linear.scatter [tilespmem:s5], [sflag:$0x4], $0x2000, $0x38;
	[tilespmem:$0x1AF50] =	vst v63  }
0x30: {  	_ =	swait.ge [sflag:s11], $0x2000  }
0x31: {  	[sflag:s11] =	ssyncset.done $0x0  }
0x32: {  	s25 =	rddreg [dreg:$0x12];
	[sflag:s11] =	ssyncadd.s32 $0xFFFFE000  }
0x33: {  	[tilespmem:s5], [sflag:$0x4] =	stream.linear.gather [spmem:s25], $0x2000, $0x38;
	[tilespmem:$0x1AF50] =	vst v63  }
0x34: {  	_ =	swait.ge [sflag:s11], $0x2000  }
0x35: {  	[sflag:s11] =	ssyncset.done $0x0  }
0x36: {  	s31 =	rddreg [dreg:$0xc];
	[sflag:s11] =	ssyncadd.s32 $0xFFFFE000  }
0x37: {  	[hbm4b:s31+s9] =	stream.linear.scatter [tilespmem:s5], [sflag:$0x4], $0x2000, $0x38;
	[tilespmem:$0x1AF50] =	vst v63  }
0x38: {  	_ =	swait.ge [sflag:s11], $0x2000  }
0x39: {  	[sflag:s11] =	ssyncset.done $0x0  }
0x3a: {  	[sflag:s11] =	ssyncadd.s32 $0xFFFFE000  }
0x3b: {  	[tilespmem:s5], [sflag:$0x4] =	stream.linear.gather [spmem:s7], $0x2000, $0x38;
	[tilespmem:$0x1AF50] =	vst v63  }
0x3c: {  	_ =	swait.ge [sflag:s11], $0x2000  }
0x3d: {  	[sflag:s11] =	ssyncset.done $0x0  }
0x3e: {  	s2 =	rddreg [dreg:$0xd];
	[sflag:s11] =	ssyncadd.s32 $0xFFFFE000  }
0x3f: {  	[hbm4b:s2+s9] =	stream.linear.scatter [tilespmem:s5], [sflag:$0x4], $0x2000, $0x38;
	[tilespmem:$0x1AF50] =	vst v63  }
0x40: {  	_ =	swait.ge [sflag:s11], $0x2000  }
0x41: {  	[sflag:s11] =	ssyncset.done $0x0  }
0x42: {  	[sflag:s11] =	ssyncadd.s32 $0xFFFFE000  }
0x43: {  	[tilespmem:s5], [sflag:$0x4] =	stream.linear.gather [spmem:s6], $0x2000, $0x38;
	[tilespmem:$0x1AF50] =	vst v63  }
0x44: {  	_ =	swait.ge [sflag:s11], $0x2000  }
0x45: {  	[sflag:s11] =	ssyncset.done $0x0  }
0x46: {  	s3 =	rddreg [dreg:$0xe];
	[sflag:s11] =	ssyncadd.s32 $0xFFFFE000  }
0x47: {  	[hbm4b:s3+s9] =	stream.linear.scatter [tilespmem:s5], [sflag:$0x4], $0x2000, $0x38;
	[tilespmem:$0x1AF50] =	vst v63  }
0x48: {  	_ =	swait.ge [sflag:s11], $0x2000  }
0x49: {  	[sflag:s11] =	ssyncset.done $0x0  }
0x4a: {  	[sflag:s11] =	ssyncadd.s32 $0xFFFFE000  }
0x4b: {  	[tilespmem:s5], [sflag:$0x4] =	stream.linear.gather [spmem:s30], $0x2000, $0x38;
	[tilespmem:$0x1AF50] =	vst v63  }
0x4c: {  	_ =	swait.ge [sflag:s11], $0x2000  }
0x4d: {  	[sflag:s11] =	ssyncset.done $0x0  }
0x4e: {  	s31 =	rddreg [dreg:$0xf];
	[sflag:s11] =	ssyncadd.s32 $0xFFFFE000  }
0x4f: {  	[hbm4b:s31+s9] =	stream.linear.scatter [tilespmem:s5], [sflag:$0x4], $0x2000, $0x38;
	[tilespmem:$0x1AF50] =	vst v63  }
0x50: {  	_ =	swait.ge [sflag:s11], $0x2000  }
0x51: {  	[sflag:s11] =	ssyncset.done $0x0  }
0x52: {  	s1 =	simm.s32 @!p2 $0xCC00;
	s2 =	simm.s32 @!p2 $0x4;
	[sflag:s11] =	ssyncadd.s32 $0xFFFFE000  }
0x53: {  	[tilespmem:s1], [sflag:$0x4] =	stream.linear.gather @!p2 [spmem:s8], $0x2000, $0x38;
	[tilespmem:$0x1AF50] =	vst v63  }
0x54: {  	_ =	swait.ge @!p2 [sflag:s2], $0x2000  }
0x55: {  	[sflag:s2] =	ssyncset.done @!p2 $0x0  }
0x56: {  	s3 =	simm.s32 @!p2 $0x0;
	s8 =	rddreg [dreg:$0x13];
	[sflag:s2] =	ssyncadd.s32 @!p2 $0xFFFFE000  }
0x57: {  	[hbm4b:s8+s3] =	stream.linear.scatter @!p2 [tilespmem:s1], [sflag:$0x4], $0x2000, $0x38;
	[tilespmem:$0x1AF50] =	vst v63  }
0x58: {  	_ =	swait.ge @!p2 [sflag:s2], $0x2000  }
0x59: {  	s1 =	simm.s32 @p5 $0xCC00;
	[sflag:s2] =	ssyncset.done @!p2 $0x0  }
0x5a: {  	s31 =	rddreg [dreg:$0x16];
	[sflag:s2] =	ssyncadd.s32 @!p2 $0xFFFFE000;
	s2 =	simm.s32 @p5 $0x4  }
0x5b: {  	[tilespmem:s1], [sflag:$0x4] =	stream.linear.gather @p5 [spmem:s31], $0x1500, $0x38;
	[tilespmem:$0x1AF50] =	vst v63  }
0x5c: {  	_ =	swait.ge @p5 [sflag:s2], $0x1500  }
0x5d: {  	[sflag:s2] =	ssyncset.done @p5 $0x0  }
0x5e: {  	s3 =	simm.s32 @p5 $0x0;
	s8 =	rddreg [dreg:$0x14];
	[sflag:s2] =	ssyncadd.s32 @p5 $0xFFFFEB00  }
0x5f: {  	[hbm4b:s8+s3] =	stream.linear.scatter @p5 [tilespmem:s1], [sflag:$0x4], $0x1500, $0x38;
	[tilespmem:$0x1AF50] =	vst v63  }
0x60: {  	_ =	swait.ge @p5 [sflag:s2], $0x1500  }
0x61: {  	s1 =	rddreg [dreg:$0x17]  }
0x62: {  	s3 =	sadd.s32 $0x1, s1;
	s1 =	rddreg [dreg:$0x15]  }
0x63: {  	p6 =	sne.s32 s3, s1  }
.Ltmp1:
0x64: {  	_ = 	snop;
	(pc) =	sbr.rel @!p6 .LBB2_8-.Ltmp1, $3  }
0x65: {  	_ =	sdelay $0x1  }
0x66: {  	[sflag:s2] =	ssyncset.done @p5 $0x0  }
0x67: {  	s8 =	smov.u32 s22;
	[sflag:s2] =	ssyncadd.s32 @p5 $0xFFFFEB00;
	s2 =	smov.u32 s31  }
.LBB2_1:
0x68: {  	[dreg:$0x17] =	wrdreg s3  }
0x69: {  	s1 =	rddreg [dreg:$0x4]  }
0x6a: {  	[tilespmem:s5], [sflag:$0x4] =	stream.linear.gather [hbm4b:s1+s9], $0x2000, $0x38;
	[tilespmem:$0x1AF50] =	vst v63  }
0x6b: {  	_ =	swait.ge [sflag:s11], $0x2000  }
0x6c: {  	[sflag:s11] =	ssyncset.done $0x0  }
0x6d: {  	[sflag:s11] =	ssyncadd.s32 $0xFFFFE000  }
0x6e: {  	[spmem:s23] =	stream.linear.scatter [tilespmem:s5], [sflag:$0x4], $0x2000, $0x38;
	[tilespmem:$0x1AF50] =	vst v63  }
0x6f: {  	_ =	swait.ge [sflag:s11], $0x2000  }
0x70: {  	[sflag:s11] =	ssyncset.done $0x0  }
0x71: {  	[sflag:s11] =	ssyncadd.s32 $0xFFFFE000  }
0x72: {  	[spmem:s24] =	stream.linear.scatter [tilespmem:s5], [sflag:$0x4], $0x2000, $0x38;
	[tilespmem:$0x1AF50] =	vst v63  }
0x73: {  	_ =	swait.ge [sflag:s11], $0x2000  }
0x74: {  	[sflag:s11] =	ssyncset.done $0x0  }
0x75: {  	[sflag:s11] =	ssyncadd.s32 $0xFFFFE000  }
0x76: {  	[spmem:s25] =	stream.linear.scatter [tilespmem:s5], [sflag:$0x4], $0x2000, $0x38;
	[tilespmem:$0x1AF50] =	vst v63  }
0x77: {  	_ =	swait.ge [sflag:s11], $0x2000  }
0x78: {  	[sflag:s11] =	ssyncset.done $0x0  }
0x79: {  	[sflag:s11] =	ssyncadd.s32 $0xFFFFE000  }
0x7a: {  	[spmem:s7] =	stream.linear.scatter [tilespmem:s5], [sflag:$0x4], $0x2000, $0x38;
	[tilespmem:$0x1AF50] =	vst v63  }
0x7b: {  	_ =	swait.ge [sflag:s11], $0x2000  }
0x7c: {  	[sflag:s11] =	ssyncset.done $0x0  }
0x7d: {  	[sflag:s11] =	ssyncadd.s32 $0xFFFFE000  }
0x7e: {  	[spmem:s6] =	stream.linear.scatter [tilespmem:s5], [sflag:$0x4], $0x2000, $0x38;
	[tilespmem:$0x1AF50] =	vst v63  }
0x7f: {  	_ =	swait.ge [sflag:s11], $0x2000  }
0x80: {  	[sflag:s11] =	ssyncset.done $0x0  }
0x81: {  	[sflag:s11] =	ssyncadd.s32 $0xFFFFE000  }
0x82: {  	[spmem:s30] =	stream.linear.scatter [tilespmem:s5], [sflag:$0x4], $0x2000, $0x38;
	[tilespmem:$0x1AF50] =	vst v63  }
0x83: {  	_ =	swait.ge [sflag:s11], $0x2000  }
0x84: {  	[sflag:s11] =	ssyncset.done $0x0  }
0x85: {  	s1 =	simm.s32 @p0 $0xCC00;
	[sflag:s11] =	ssyncadd.s32 $0xFFFFE000  }
0x86: {  	[spmem:s2] =	stream.linear.scatter @p0 [tilespmem:s1], [sflag:$0x4], $0x1500, $0x38;
	[tilespmem:$0x1AF50] =	vst v63  }
0x87: {  	s1 =	simm.s32 @p0 $0x4  }
0x88: {  	_ =	swait.ge @p0 [sflag:s1], $0x1500  }
0x89: {  	[sflag:s1] =	ssyncset.done @p0 $0x0  }
0x8a: {  	[sflag:s1] =	ssyncadd.s32 @p0 $0xFFFFEB00;
	s1 =	simm.s32 @!p3 $0xCC00  }
0x8b: {  	[spmem:s8] =	stream.linear.scatter @!p3 [tilespmem:s1], [sflag:$0x4], $0x2000, $0x38;
	[tilespmem:$0x1AF50] =	vst v63  }
0x8c: {  	s1 =	simm.s32 @!p3 $0x4  }
.Ltmp2:
0x8d: {  	_ =	swait.ge @!p3 [sflag:s1], $0x2000;
	(pc) =	sbr.rel .LBB2_2-.Ltmp2, $4  }
0x8e: {  	[sflag:s1] =	ssyncset.done @!p3 $0x0  }
0x8f: {  	p6 =	por @!p3 $0x0, $0x0;
	[sflag:s1] =	ssyncadd.s32 @!p3 $0xFFFFE000  }
0x90: {  	p5 =	por @p0 $0x1, $0x1;
	p6 =	por @!p4 p1, p1;
	[bflag:$0x0] =	sbarrier.arrive $0xFFFF  }
0x91: {  	p5 =	por @!p0 p6, p6;
	s24 =	simm.s32 $0x0  }
.LBB2_6:
0x92: {  	s24 =	sadd.s32 $0x1, s24  }
0x93: {  	p6 =	sne.s32 s24, $0x62  }
.Ltmp3:
0x94: {  	_ = 	snop;
	(pc) =	sbr.rel @!p6 .LBB2_7-.Ltmp3, $1  }
0x95: {  	_ =	sdelay $0x3  }
.LBB2_2:
0x96: {  	s1 =	sshll.u32 s24, $0x5  }
0x97: {  	s1 =	sor.u32 s1, s19  }
0x98: {  	s25 =	sor.u32 s10, s1  }
0x99: {  	p6 =	sgt.u32 s25, $0xC34  }
.Ltmp4:
0x9a: {  	_ = 	snop;
	(pc) =	sbr.rel @p6 .LBB2_6-.Ltmp4, $1  }
0x9b: {  	_ =	sdelay $0x3  }
0x9c: {  	s1 =	sshll.u32 s25, $0x7;
	s2 =	rddreg [dreg:$0x1]  }
0x9d: {  	s8 =	smov.u32 s30;
	s30 =	simm.s32 $0x0;
	s23 =	sadd.s32 s2, s1  }
0x9e: {  	[tilespmem:s30], [sflag:$0x1] =	stream.linear.gather [hbm4b:s23+s30], $0x400, $0x38;
	[tilespmem:$0x1AF50] =	vst v63  }
0x9f: {  	_ =	swait.ge [sflag:s12], $0x400  }
0xa0: {  	[sflag:s12] =	ssyncset.done $0x0  }
0xa1: {  	[sflag:s12] =	ssyncadd.s32 $0xFFFFFC00  }
0xa2: {  	s23 =	rddreg [dreg:$0x2]  }
0xa3: {  	s3 =	sadd.s32 s23, s1  }
0xa4: {  	[tilespmem:s13], [sflag:$0x1] =	stream.linear.gather [hbm4b:s3+s30], $0x400, $0x38;
	[tilespmem:$0x1AF50] =	vst v63  }
0xa5: {  	_ =	swait.ge [sflag:s12], $0x400  }
0xa6: {  	[sflag:s12] =	ssyncset.done $0x0  }
0xa7: {  	[sflag:s12] =	ssyncadd.s32 $0xFFFFFC00  }
0xa8: {  	s23 =	rddreg [dreg:$0x3]  }
0xa9: {  	s31 =	simm.s32 $0x800;
	s1 =	sadd.s32 s23, s1  }
0xaa: {  	[tilespmem:s31], [sflag:$0x1] =	stream.linear.gather [hbm4b:s1+s30], $0x400, $0x38;
	[tilespmem:$0x1AF50] =	vst v63  }
0xab: {  	_ =	swait.ge [sflag:s12], $0x400  }
0xac: {  	[sflag:s12] =	ssyncset.done $0x0  }
0xad: {  	[sflag:s12] =	ssyncadd.s32 $0xFFFFFC00  }
0xae: {  	v19 =	vmov s30;
	[tilespmem:s14], [sflag:$0x2] =	stream.indirect.gather [hbm4b:s0+s13], $0x8, s30, s13, $0xb8;
	[tilespmem:$0x1AF50] =	vst v63  }
0xaf: {  	v19 =	vshll.u32 v19, $0x3;
	_ =	swait.ge [sflag:s15], $0x2000  }
0xb0: {  	v19 =	vor.u32 v1, v19;
	[sflag:s15] =	ssyncset.done $0x0  }
0xb1: {  	v20 =	vor.u32 $0x1, v19;
	[sflag:s15] =	ssyncadd.s32 $0xFFFFE000  }
0xb2: {  	[tilespmem:s16], [sflag:$0x2] =	stream.indirect.gather [hbm4b:s0+s13], $0x8, s13, s13, $0xb8;
	[tilespmem:$0x1AF50] =	vst v63  }
0xb3: {  	_ =	swait.ge [sflag:s15], $0x2000  }
0xb4: {  	v21 =	vor.u32 $0x2, v19;
	[sflag:s15] =	ssyncset.done $0x0  }
0xb5: {  	[sflag:s15] =	ssyncadd.s32 $0xFFFFE000  }
0xb6: {  	v23 =	vld.idx.msk [tilespmem:v20+s14+$0x0], $0xffff  }
0xb7: {  	v24 =	vld.idx.msk [tilespmem:v19+s14+$0x0], $0xffff  }
0xb8: {  	v25 =	vld.idx.msk [tilespmem:v20+s16+$0x0], $0xffff  }
0xb9: {  	v26 =	vld.idx.msk [tilespmem:v21+s14+$0x0], $0xffff  }
0xba: {  	v27 =	vld.idx.msk [tilespmem:v19+s16+$0x0], $0xffff  }
0xbb: {  	v28 =	vld.idx.msk [tilespmem:v21+s16+$0x0], $0xffff  }
0xbc: {  	v22 =	vld [tilespmem:s31+$0x0];
	_ =	sdelay $0x2  }
0xbd: {  	v23 =	vsub.f32 v25, v23;
	v24 =	vsub.f32 v27, v24  }
0xbe: {  	v26 =	vsub.f32 v28, v26  }
0xbf: {  	v25 =	vmul.f32 v22, v23;
	v37 =	vmul.f32 v22, v24  }
0xc0: {  	v24 =	vmul.f32 v22, v26  }
0xc1: {  	v23 =	vmul.f32 v37, v37;
	v26 =	vmul.f32 v25, v25;
	_ =	sdelay $0x1  }
0xc2: {  	v23 =	vadd.f32 v26, v23;
	v26 =	vmul.f32 v24, v24;
	_ =	sdelay $0x1  }
0xc3: {  	v23 =	vadd.f32 v23, v26;
	_ =	sdelay $0x1  }
0xc4: {  	vm0 =	vgt.f32 v23, $0.0e+00  }
0xc5: {  	v26 =	vnsel vm0, $0x3F800000, v23  }
0xc6: {  	v27 =	vshrl.u32 v26, $0x1;
	v26 =	vmul.f32 $5.000000000e-01, v26  }
0xc7: {  	v27 =	vsub.s32 $0x5F3759DF, v27  }
0xc8: {  	v28 =	vmul.f32 v27, v26;
	_ =	sdelay $0x1  }
0xc9: {  	v28 =	vmul.f32 v27, v28;
	_ =	sdelay $0x1  }
0xca: {  	v28 =	vsub.f32 $1.500000000e+00, v28;
	_ =	sdelay $0x1  }
0xcb: {  	v27 =	vmul.f32 v27, v28;
	_ =	sdelay $0x1  }
0xcc: {  	v28 =	vmul.f32 v27, v26;
	_ =	sdelay $0x1  }
0xcd: {  	v28 =	vmul.f32 v28, v27;
	_ =	sdelay $0x1  }
0xce: {  	v28 =	vsub.f32 $1.500000000e+00, v28;
	_ =	sdelay $0x1  }
0xcf: {  	v27 =	vmul.f32 v28, v27;
	_ =	sdelay $0x1  }
0xd0: {  	v26 =	vmul.f32 v27, v26;
	_ =	sdelay $0x1  }
0xd1: {  	v26 =	vmul.f32 v26, v27;
	_ =	sdelay $0x1  }
0xd2: {  	v26 =	vsub.f32 $1.500000000e+00, v26;
	_ =	sdelay $0x1  }
0xd3: {  	v26 =	vmul.f32 v26, v27;
	_ =	sdelay $0x1  }
0xd4: {  	v23 =	vmul.f32 v26, v23;
	_ =	sdelay $0x1  }
0xd5: {  	v23 =	vnsel vm0, $0x0, v23  }
0xd6: {  	v26 =	vmul.f32 v23, v22;
	_ =	sdelay $0x1  }
0xd7: {  	v23 =	vadd.f32 $-3.333333430e-01, v26  }
0xd8: {  	v38 =	vmul.f32 $2.000000030e-01, v26;
	v28 =	vadd.f32 $-6.666666860e-01, v26;
	v29 =	vadd.f32 $-1.000000000e+00, v26  }
0xd9: {  	v27 =	vmul.f32 v26, v26;
	v32 =	vadd.f32 $-4.666666510e+00, v26;
	v35 =	vadd.f32 $-3.000000000e+00, v26  }
0xda: {  	v36 =	vadd.f32 $-3.333333250e+00, v26;
	v23 =	vmul.f32 v23, v23;
	v30 =	vmul.f32 $-9.286719720e-10, v38  }
0xdb: {  	v50 =	vadd.f32 $-3.666666750e+00, v26;
	v27 =	vmul.f32 $-4.499999520e+00, v27;
	v28 =	vmul.f32 v28, v28  }
0xdc: {  	v43 =	vadd.f32 $-5.000000000e+00, v26;
	v29 =	vmul.f32 v29, v29;
	v39 =	vmul.f32 v32, v32  }
0xdd: {  	v51 =	vmul.f32 v35, v35;
	v52 =	vmul.f32 v36, v36  }
0xde: {  	v32 =	vmul.f32 v50, v50;
	v60 =	vmul.f32 v43, v43  }
0xdf: {  	v23 =	vmul.f32 $-4.499999520e+00, v23;
	v30 =	vadd.f32 $3.500214550e-03, v30;
	v27 =	vmul.f32 $1.442695020e+00, v27  }
0xe0: {  	v28 =	vmul.f32 $-4.499999520e+00, v28;
	v35 =	vmul.f32 $-4.499999520e+00, v52  }
0xe1: {  	v23 =	vmul.f32 $1.442695020e+00, v23;
	v30 =	vmul.f32 v30, v38  }
0xe2: {  	v31 =	vadd.f32 $-1.333333370e+00, v26;
	v28 =	vmul.f32 $1.442695020e+00, v28;
	(erf) = vpow2.f32 v27  }
0xe3: {  	v27 =	vmul.f32 $-4.499999520e+00, v29;
	v29 =	vadd.f32 $-1.925116400e-02, v30;
	(erf) = vpow2.f32 v23  }
0xe4: {  	v30 =	vmul.f32 v31, v31;
	(erf) = vpow2.f32 v28  }
0xe5: {  	v32 =	vmul.f32 $-4.499999520e+00, v32;
	v28 =	vadd.f32 $-2.000000000e+00, v26;
	v29 =	vmul.f32 v29, v38  }
0xe6: {  	v27 =	vmul.f32 $1.442695020e+00, v27;
	v30 =	vmul.f32 $-4.499999520e+00, v30  }
0xe7: {  	v31 =	vadd.f32 $-2.333333250e+00, v26;
	v28 =	vmul.f32 v28, v28;
	v29 =	vadd.f32 $7.112308410e-03, v29  }
0xe8: {  	v23 =	vadd.f32 $-1.666666630e+00, v26;
	(erf) = vpow2.f32 v27;
	v27 =	vmul.f32 $1.442695020e+00, v30  }
0xe9: {  	v28 =	vmul.f32 $-4.499999520e+00, v28;
	v29 =	vmul.f32 v29, v38  }
0xea: {  	v23 =	vmul.f32 v23, v23;
	(erf) = vpow2.f32 v27  }
0xeb: {  	s1 =	sand.u32 $0x70, s30;
	v27 =	vmul.f32 $1.442695020e+00, v28;
	v28 =	vmul.f32 v31, v31;
	v31 =	vpop (erf);
	v29 =	vadd.f32 $1.123783070e-01, v29  }
0xec: {  	s2 =	simm.s32 $0x0;
	v33 =	vadd.f32 $-2.666666750e+00, v26;
	v54 =	vmul.f32 $1.442695020e+00, v35;
	v23 =	vmul.f32 $-4.499999520e+00, v23;
	v34 =	vpop (erf)  }
0xed: {  	s23 =	sor.u32 s1, s2;
	v30 =	vadd.f32 $-4.000000000e+00, v26;
	v29 =	vmul.f32 v29, v38;
	v49 =	vpop (erf);
	(erf) = vpow2.f32 v27  }
0xee: {  	v44 =	vor.u32 s23, v0;
	v27 =	vmul.f32 $-4.499999520e+00, v28;
	v28 =	vmul.f32 v33, v33  }
0xef: {  	v30 =	vmul.f32 v30, v30;
	v23 =	vmul.f32 $1.442695020e+00, v23;
	v29 =	vadd.f32 $2.675237600e-03, v29  }
0xf0: {  	v44 =	vand.u32 v2, v44;
	v28 =	vmul.f32 $-4.499999520e+00, v28;
	v27 =	vmul.f32 $1.442695020e+00, v27  }
0xf1: {  	vm14 =	vlt.f32 v26, $0.0e+00;
	v30 =	vmul.f32 $-4.499999520e+00, v30;
	v29 =	vmul.f32 v29, v38  }
0xf2: {  	v42 =	vadd.f32 $-4.333333490e+00, v26;
	(erf) = vpow2.f32 v27;
	v27 =	vmul.f32 $1.442695020e+00, v28  }
0xf3: {  	vm1 =	vgt.f32 v26, $0.0e+00;
	v31 =	vmul.f32 v31, v22;
	v33 =	vmul.f32 $-4.499999520e+00, v51  }
0xf4: {  	v30 =	vmul.f32 $1.442695020e+00, v30;
	v29 =	vadd.f32 $-6.685535310e-01, v29;
	(erf) = vpow2.f32 v27  }
0xf5: {  	s3 =	simm.s32 $0x0;
	vm0 =	vmor vm1, vm14;
	v47 =	vmul.f32 v34, v22;
	v40 =	vmul.f32 v49, v22;
	v53 =	vpop (erf)  }
0xf6: {  	s1 =	sor.u32 s1, s3;
	v36 =	vor.u32 s23, v5;
	v41 =	vpop (erf);
	v28 =	vmul.f32 v29, v38;
	v29 =	vmul.f32 $1.442695020e+00, v33  }
0xf7: {  	v35 =	vor.u32 s1, v3;
	v46 =	vmul.f32 v53, v22;
	v41 =	vmul.f32 v41, v22  }
0xf8: {  	v55 =	vpop (erf);
	v28 =	vadd.f32 $2.123935410e-04, v28;
	(erf) = vpow2.f32 v29;
	v29 =	vmul.f32 $1.442695020e+00, v32  }
0xf9: {  	v34 =	vor.u32 s1, v5;
	(erf) = vpow2.f32 v23;
	v23 =	vmul.f32 v42, v42  }
0xfa: {  	v27 =	vor.u32 s23, v3;
	v56 =	vmul.f32 v28, v38;
	(erf) = vpow2.f32 v30  }
0xfb: {  	v28 =	vor.u32 s23, v4;
	v30 =	vor.u32 s1, v0;
	(erf) = vpow2.f32 v29  }
0xfc: {  	v59 =	vpop (erf);
	v29 =	vmul.f32 $-4.499999520e+00, v23;
	v23 =	vnsel vm0, $0x3F800000, v26;
	(erf) = vpow2.f32 v54  }
0xfd: {  	v32 =	vand.u32 v6, v30;
	v57 =	vadd.f32 $2.029324770e+00, v56;
	v61 =	vpop (erf);
	(erf) = vrcp.f32 v23  }
0xfe: {  	[tilespmem:v44+s26+$0x0] =	vst.idx.msk $0xffff, v37;
	v33 =	vmul.f32 $-4.499999520e+00, v60;
	v60 =	vor.u32 s1, v12;
	v45 =	vmul.f32 v55, v22  }
0xff: {  	[tilespmem:v27+s26+$0x0] =	vst.idx.msk $0xffff, v25;
	v30 =	vmul.f32 $-4.499999520e+00, v39;
	v23 =	vor.u32 s1, v4;
	v58 =	vmul.f32 v57, v38  }
0x100: {  	v63 =	vmul.f32 $1.442695020e+00, v33;
	v33 =	vor.u32 s1, v10;
	v29 =	vmul.f32 $1.442695020e+00, v29;
	[tilespmem:v28+s26+$0x0] =	vst.idx.msk $0xffff, v24  }
0x101: {  	v49 =	vmul.f32 $1.442695020e+00, v30;
	v30 =	vor.u32 s1, v7;
	v42 =	vadd.f32 $2.749226040e-06, v58;
	[tilespmem:v36+s26+$0x0] =	vst.idx.msk $0xffff, v26;
	v62 =	vpop (erf)  }
0x102: {  	v55 =	vor.u32 s1, v16;
	v48 =	vmul.f32 v59, v22;
	[tilespmem:v32+s28+$0x0] =	vst.idx.msk $0xffff, v31;
	v31 =	vor.u32 s1, v8;
	v50 =	vpop (erf)  }
0x103: {  	(erf) = vpow2.f32 v29;
	v29 =	vor.u32 s1, v9;
	v42 =	vmul.f32 v42, v38;
	[tilespmem:v35+s28+$0x0] =	vst.idx.msk $0xffff, v47;
	v51 =	vpop (erf)  }
0x104: {  	v39 =	vmul.f32 v61, v22;
	v57 =	vor.u32 s1, v11;
	[tilespmem:v23+s28+$0x0] =	vst.idx.msk $0xffff, v40;
	v52 =	vpop (erf);
	(erf) = vpow2.f32 v49  }
0x105: {  	v50 =	vmul.f32 v50, v22;
	v56 =	vadd.f32 $-2.467401270e+00, v42;
	[tilespmem:v34+s28+$0x0] =	vst.idx.msk $0xffff, v46;
	v58 =	vpop (erf);
	(erf) = vpow2.f32 v63  }
0x106: {  	v54 =	vor.u32 s1, v15;
	v43 =	vmul.f32 v62, v22;
	v51 =	vmul.f32 v51, v22;
	[tilespmem:v30+s28+$0x0] =	vst.idx.msk $0xffff, v41;
	v63 =	vpop (erf)  }
0x107: {  	v61 =	vor.u32 s1, v13;
	v40 =	vmul.f32 v56, v38;
	[tilespmem:v31+s28+$0x0] =	vst.idx.msk $0xffff, v50;
	v25 =	vmul.f32 v63, v25  }
0x108: {  	v62 =	vor.u32 s1, v14;
	v59 =	vmul.f32 v52, v22;
	[tilespmem:v29+s28+$0x0] =	vst.idx.msk $0xffff, v45;
	v37 =	vmul.f32 v63, v37  }
0x109: {  	v24 =	vmul.f32 v63, v24;
	v40 =	vadd.f32 $2.238422110e-09, v40;
	[tilespmem:v33+s28+$0x0] =	vst.idx.msk $0xffff, v48;
	v25 =	vnsel vm0, $0x0, v25  }
0x10a: {  	v46 =	vmul.f32 v58, v22;
	[tilespmem:v57+s28+$0x0] =	vst.idx.msk $0xffff, v39;
	v56 =	vnsel vm0, $0x0, v37;
	v57 =	vor.u32 s1, v17  }
0x10b: {  	v24 =	vnsel vm0, $0x0, v24;
	[tilespmem:v60+s28+$0x0] =	vst.idx.msk $0xffff, v43;
	v40 =	vmul.f32 v40, v38;
	v37 =	vmul.f32 v25, v22  }
0x10c: {  	v53 =	vor.u32 s1, v18;
	v38 =	vmul.f32 v56, v22;
	v24 =	vmul.f32 v24, v22;
	[tilespmem:v61+s28+$0x0] =	vst.idx.msk $0xffff, v46;
	v25 =	vpop (erf)  }
0x10d: {  	[tilespmem:v62+s28+$0x0] =	vst.idx.msk $0xffff, v59;
	v58 =	vmul.f32 $4.886025190e-01, v37;
	v25 =	vmul.f32 v25, v22;
	v59 =	vpop (erf)  }
0x10e: {  	v62 =	vmul.f32 $4.886025190e-01, v24;
	[tilespmem:v54+s28+$0x0] =	vst.idx.msk $0xffff, v51;
	v42 =	vmul.f32 v59, v22;
	v61 =	vpop (erf)  }
0x10f: {  	v60 =	vadd.f32 $1.000000000e+00, v40;
	v63 =	vmul.f32 $3.000000000e+00, v24;
	[tilespmem:v55+s28+$0x0] =	vst.idx.msk $0xffff, v25;
	v25 =	vmul.f32 v61, v22  }
0x110: {  	vm15 =	vlt.f32 v26, $5.000000000e+00;
	v40 =	vmul.f32 $4.886025190e-01, v38;
	v39 =	vmul.f32 v58, v22;
	[tilespmem:v57+s28+$0x0] =	vst.idx.msk $0xffff, v42  }
0x111: {  	v26 =	vnsel vm15, $0x0, v60;
	v41 =	vmul.f32 v62, v22;
	v42 =	vmul.f32 v63, v24;
	[tilespmem:v53+s28+$0x0] =	vst.idx.msk $0xffff, v25  }
0x112: {  	s23 =	simm.s32 $0x1;
	v25 =	vmul.f32 v26, v22;
	v26 =	vmul.f32 $1.092548490e+00, v38;
	[tilespmem:v44+s29+$0x0] =	vst.idx.msk $0xffff, v38  }
.LBB2_4:
0x113: {  	p6 =	sne.s32 s23, $0x3F;
	[tilespmem:v27+s29+$0x0] =	vst.idx.msk $0xffff, v37;
	v27 =	vmul.f32 $1.092548490e+00, v37;
	v38 =	vmul.f32 v38, v38;
	s30 =	sadd.s32 $0x10, s30;
	s31 =	sadd.s32 $0x10, s31  }
0x114: {  	s1 =	smov.u32 s23;
	s23 =	sadd.s32 $0x1, s23;
	[tilespmem:v28+s29+$0x0] =	vst.idx.msk $0xffff, v24;
	v28 =	vmul.f32 v40, v22;
	v40 =	vadd.f32 $-1.000000000e+00, v42;
	v42 =	vmul.f32 v37, v37  }
0x115: {  	[tilespmem:v36+s29+$0x0] =	vst.idx.msk $0xffff, v25;
	v27 =	vmul.f32 v27, v24;
	v36 =	vmul.f32 v25, v39  }
0x116: {  	v40 =	vmul.f32 $3.153915700e-01, v40;
	v38 =	vsub.f32 v38, v42;
	[tilespmem:v32+s20+$0x0] =	vst.idx.msk $0xffff, v39;
	v32 =	vmul.f32 v25, v41  }
0x117: {  	v37 =	vmul.f32 v26, v37;
	v27 =	vmul.f32 v27, v22;
	[tilespmem:v19+s5+$0x0] =	vst.idx.msk $0xffff, v36;
	v36 =	vor.u32 $0x3, v19  }
0x118: {  	v39 =	vmov s30;
	v40 =	vmul.f32 v40, v22;
	v38 =	vmul.f32 $5.462742450e-01, v38;
	[tilespmem:v35+s20+$0x0] =	vst.idx.msk $0xffff, v41  }
0x119: {  	v37 =	vmul.f32 v37, v22;
	v35 =	vshll.u32 v39, $0x3;
	[tilespmem:v20+s5+$0x0] =	vst.idx.msk $0xffff, v32;
	v32 =	vmul.f32 v25, v28  }
0x11a: {  	v35 =	vor.u32 v1, v35;
	[tilespmem:v23+s20+$0x0] =	vst.idx.msk $0xffff, v28;
	v23 =	vor.u32 $0x4, v19;
	v28 =	vmul.f32 v25, v40  }
0x11b: {  	v20 =	vor.u32 $0x1, v35;
	[tilespmem:v21+s5+$0x0] =	vst.idx.msk $0xffff, v32;
	v21 =	vmul.f32 v25, v37  }
0x11c: {  	v32 =	vmul.f32 v38, v22;
	[tilespmem:v34+s20+$0x0] =	vst.idx.msk $0xffff, v37;
	v34 =	vor.u32 $0x5, v19  }
0x11d: {  	v24 =	vmul.f32 v26, v24;
	v26 =	vmul.f32 v25, v27;
	[tilespmem:v36+s5+$0x0] =	vst.idx.msk $0xffff, v21  }
0x11e: {  	v21 =	vor.u32 $0x2, v35;
	[tilespmem:v30+s20+$0x0] =	vst.idx.msk $0xffff, v27;
	v27 =	vor.u32 $0x6, v19;
	v30 =	vmul.f32 v25, v32  }
0x11f: {  	v22 =	vmul.f32 v24, v22;
	[tilespmem:v23+s5+$0x0] =	vst.idx.msk $0xffff, v26  }
0x120: {  	v23 =	vor.u32 $0x7, v19;
	v19 =	vmov v35;
	[tilespmem:v31+s20+$0x0] =	vst.idx.msk $0xffff, v40  }
0x121: {  	v24 =	vmul.f32 v25, v22;
	[tilespmem:v34+s5+$0x0] =	vst.idx.msk $0xffff, v28  }
0x122: {  	[tilespmem:v29+s20+$0x0] =	vst.idx.msk $0xffff, v22  }
0x123: {  	[tilespmem:v27+s5+$0x0] =	vst.idx.msk $0xffff, v24  }
0x124: {  	[tilespmem:v33+s20+$0x0] =	vst.idx.msk $0xffff, v32  }
0x125: {  	[tilespmem:v23+s5+$0x0] =	vst.idx.msk $0xffff, v30  }
0x126: {  	v23 =	vld.idx.msk [tilespmem:v20+s14+$0x0], $0xffff  }
0x127: {  	v24 =	vld.idx.msk [tilespmem:v35+s14+$0x0], $0xffff  }
0x128: {  	v25 =	vld.idx.msk [tilespmem:v20+s16+$0x0], $0xffff  }
0x129: {  	v26 =	vld.idx.msk [tilespmem:v21+s14+$0x0], $0xffff  }
0x12a: {  	v27 =	vld.idx.msk [tilespmem:v35+s16+$0x0], $0xffff  }
0x12b: {  	v28 =	vld.idx.msk [tilespmem:v21+s16+$0x0], $0xffff  }
0x12c: {  	v22 =	vld [tilespmem:s31+$0x0];
	_ =	sdelay $0x2  }
0x12d: {  	v23 =	vsub.f32 v25, v23  }
0x12e: {  	v25 =	vsub.f32 v27, v24  }
0x12f: {  	v24 =	vmul.f32 v22, v23;
	v23 =	vsub.f32 v28, v26  }
0x130: {  	v26 =	vmul.f32 v22, v25  }
0x131: {  	v25 =	vmul.f32 v22, v23  }
0x132: {  	v23 =	vmul.f32 v26, v26;
	v27 =	vmul.f32 v24, v24;
	_ =	sdelay $0x1  }
0x133: {  	v23 =	vadd.f32 v27, v23;
	v27 =	vmul.f32 v25, v25;
	_ =	sdelay $0x1  }
0x134: {  	v23 =	vadd.f32 v23, v27;
	_ =	sdelay $0x1  }
0x135: {  	vm0 =	vgt.f32 v23, $0.0e+00  }
0x136: {  	v27 =	vnsel vm0, $0x3F800000, v23  }
0x137: {  	v28 =	vshrl.u32 v27, $0x1;
	v27 =	vmul.f32 $5.000000000e-01, v27  }
0x138: {  	v28 =	vsub.s32 $0x5F3759DF, v28  }
0x139: {  	v29 =	vmul.f32 v28, v27;
	_ =	sdelay $0x1  }
0x13a: {  	v29 =	vmul.f32 v28, v29;
	_ =	sdelay $0x1  }
0x13b: {  	v29 =	vsub.f32 $1.500000000e+00, v29;
	_ =	sdelay $0x1  }
0x13c: {  	v28 =	vmul.f32 v28, v29;
	_ =	sdelay $0x1  }
0x13d: {  	v29 =	vmul.f32 v28, v27;
	_ =	sdelay $0x1  }
0x13e: {  	v29 =	vmul.f32 v29, v28;
	_ =	sdelay $0x1  }
0x13f: {  	v29 =	vsub.f32 $1.500000000e+00, v29;
	_ =	sdelay $0x1  }
0x140: {  	v28 =	vmul.f32 v29, v28;
	_ =	sdelay $0x1  }
0x141: {  	v27 =	vmul.f32 v28, v27;
	_ =	sdelay $0x1  }
0x142: {  	v27 =	vmul.f32 v27, v28;
	_ =	sdelay $0x1  }
0x143: {  	v27 =	vsub.f32 $1.500000000e+00, v27;
	_ =	sdelay $0x1  }
0x144: {  	v27 =	vmul.f32 v27, v28;
	_ =	sdelay $0x1  }
0x145: {  	v23 =	vmul.f32 v27, v23;
	_ =	sdelay $0x1  }
0x146: {  	v23 =	vnsel vm0, $0x0, v23  }
0x147: {  	v38 =	vmul.f32 v23, v22;
	_ =	sdelay $0x1  }
0x148: {  	v23 =	vmul.f32 v38, v38;
	v27 =	vadd.f32 $-3.333333430e-01, v38;
	v37 =	vmul.f32 $2.000000030e-01, v38  }
0x149: {  	v28 =	vadd.f32 $-6.666666860e-01, v38;
	v29 =	vadd.f32 $-1.000000000e+00, v38;
	vm0 =	vlt.f32 v38, $0.0e+00  }
0x14a: {  	v30 =	vadd.f32 $-1.333333370e+00, v38;
	v27 =	vmul.f32 v27, v27;
	v31 =	vmul.f32 $-9.286719720e-10, v37  }
0x14b: {  	v32 =	vadd.f32 $-1.666666630e+00, v38;
	v23 =	vmul.f32 $-4.499999520e+00, v23;
	v28 =	vmul.f32 v28, v28  }
0x14c: {  	v29 =	vmul.f32 v29, v29;
	v27 =	vmul.f32 $-4.499999520e+00, v27;
	v31 =	vadd.f32 $3.500214550e-03, v31  }
0x14d: {  	v33 =	vadd.f32 $-2.000000000e+00, v38;
	v23 =	vmul.f32 $1.442695020e+00, v23;
	v28 =	vmul.f32 $-4.499999520e+00, v28  }
0x14e: {  	v34 =	vadd.f32 $-2.333333250e+00, v38;
	v27 =	vmul.f32 $1.442695020e+00, v27;
	v31 =	vmul.f32 v31, v37  }
0x14f: {  	v35 =	vadd.f32 $-2.666666750e+00, v38;
	v28 =	vmul.f32 $1.442695020e+00, v28;
	(erf) = vpow2.f32 v23  }
0x150: {  	v23 =	vmul.f32 $-4.499999520e+00, v29;
	v29 =	vadd.f32 $-1.925116400e-02, v31;
	(erf) = vpow2.f32 v27  }
0x151: {  	v27 =	vmul.f32 v30, v30;
	v30 =	vadd.f32 $-3.000000000e+00, v38;
	(erf) = vpow2.f32 v28  }
0x152: {  	v23 =	vmul.f32 $1.442695020e+00, v23;
	v28 =	vadd.f32 $-3.333333250e+00, v38;
	v29 =	vmul.f32 v29, v37  }
0x153: {  	v31 =	vmul.f32 v32, v32;
	v32 =	vadd.f32 $-3.666666750e+00, v38;
	v27 =	vmul.f32 $-4.499999520e+00, v27  }
0x154: {  	v33 =	vmul.f32 v33, v33;
	v29 =	vadd.f32 $7.112308410e-03, v29;
	(erf) = vpow2.f32 v23  }
0x155: {  	v31 =	vmul.f32 $-4.499999520e+00, v31;
	v23 =	vmul.f32 $1.442695020e+00, v27;
	v27 =	vadd.f32 $-4.000000000e+00, v38  }
0x156: {  	v36 =	vadd.f32 $-4.333333490e+00, v38;
	v33 =	vmul.f32 $-4.499999520e+00, v33;
	v29 =	vmul.f32 v29, v37  }
0x157: {  	v39 =	vadd.f32 $-4.666666510e+00, v38;
	v27 =	vmul.f32 v27, v27;
	(erf) = vpow2.f32 v23  }
0x158: {  	v23 =	vmul.f32 $1.442695020e+00, v33;
	v33 =	vmul.f32 v34, v34;
	v43 =	vadd.f32 $1.123783070e-01, v29;
	v34 =	vpop (erf)  }
0x159: {  	v41 =	vadd.f32 $-5.000000000e+00, v38;
	v40 =	vmul.f32 v34, v22;
	v34 =	vmul.f32 $-4.499999520e+00, v27;
	v42 =	vpop (erf)  }
0x15a: {  	vm1 =	vgt.f32 v38, $0.0e+00;
	v39 =	vmul.f32 v39, v39;
	v27 =	vmul.f32 v43, v37;
	v29 =	vpop (erf)  }
0x15b: {  	v43 =	vmul.f32 v29, v22;
	(erf) = vpow2.f32 v23  }
0x15c: {  	v23 =	vmul.f32 $-4.499999520e+00, v33;
	v29 =	vmul.f32 v35, v35;
	v27 =	vadd.f32 $2.675237600e-03, v27  }
0x15d: {  	s1 =	sshrl.u32 s1, $0x3;
	v30 =	vmul.f32 v30, v30;
	v28 =	vmul.f32 v28, v28;
	v33 =	vpop (erf)  }
0x15e: {  	s2 =	sand.u32 $0x70, s30;
	s3 =	sshll.u32 s1, $0x9;
	s1 =	sshll.u32 s1, $0xA;
	v29 =	vmul.f32 $-4.499999520e+00, v29;
	v44 =	vmul.f32 v27, v37  }
0x15f: {  	s3 =	sor.u32 s2, s3;
	s1 =	sor.u32 s2, s1;
	v32 =	vmul.f32 v32, v32;
	v23 =	vmul.f32 $1.442695020e+00, v23  }
0x160: {  	v30 =	vmul.f32 $-4.499999520e+00, v30;
	v35 =	vmul.f32 $-4.499999520e+00, v28;
	v28 =	vadd.f32 $-6.685535310e-01, v44;
	v27 =	vpop (erf)  }
0x161: {  	v44 =	vor.u32 s3, v0;
	v45 =	vmul.f32 v27, v22;
	(erf) = vpow2.f32 v23  }
0x162: {  	v27 =	vor.u32 s3, v3;
	v23 =	vmul.f32 $1.442695020e+00, v29;
	v29 =	vmul.f32 v28, v37  }
0x163: {  	v30 =	vmul.f32 $1.442695020e+00, v30;
	v34 =	vmul.f32 $1.442695020e+00, v34;
	v28 =	vor.u32 s3, v4  }
0x164: {  	v35 =	vmul.f32 $1.442695020e+00, v35;
	v29 =	vadd.f32 $2.123935410e-04, v29;
	v46 =	vpop (erf);
	(erf) = vpow2.f32 v23  }
0x165: {  	v31 =	vmul.f32 $1.442695020e+00, v31;
	v46 =	vmul.f32 v46, v22  }
0x166: {  	v32 =	vmul.f32 $-4.499999520e+00, v32;
	v23 =	vor.u32 s1, v4;
	v29 =	vmul.f32 v29, v37  }
0x167: {  	v47 =	vor.u32 s1, v0;
	v48 =	vmul.f32 v33, v22;
	(erf) = vpow2.f32 v30  }
0x168: {  	v30 =	vmul.f32 $1.442695020e+00, v32;
	v29 =	vadd.f32 $2.029324770e+00, v29;
	(erf) = vpow2.f32 v31  }
0x169: {  	v44 =	vand.u32 v2, v44;
	v31 =	vmul.f32 v36, v36;
	(erf) = vpow2.f32 v34  }
0x16a: {  	v32 =	vand.u32 v6, v47;
	v29 =	vmul.f32 v29, v37;
	v33 =	vpop (erf);
	(erf) = vpow2.f32 v30  }
0x16b: {  	vm0 =	vmor vm1, vm0;
	v42 =	vmul.f32 v42, v22;
	v47 =	vmul.f32 v33, v22  }
0x16c: {  	v36 =	vor.u32 s3, v5;
	v30 =	vmul.f32 $-4.499999520e+00, v31;
	(erf) = vpow2.f32 v35  }
0x16d: {  	v51 =	vmul.f32 $-4.499999520e+00, v39;
	v34 =	vnsel vm0, $0x3F800000, v38;
	v33 =	vmul.f32 v41, v41;
	v39 =	vpop (erf)  }
0x16e: {  	v35 =	vor.u32 s1, v3;
	[tilespmem:v44+s26+$0x0] =	vst.idx.msk $0xffff, v26;
	v39 =	vmul.f32 v39, v22;
	(erf) = vrcp.f32 v34  }
0x16f: {  	v49 =	vadd.f32 $2.749226040e-06, v29;
	v41 =	vmul.f32 $1.442695020e+00, v30;
	v33 =	vmul.f32 $-4.499999520e+00, v33;
	[tilespmem:v27+s26+$0x0] =	vst.idx.msk $0xffff, v24  }
0x170: {  	v50 =	vmul.f32 $1.442695020e+00, v51;
	v29 =	vor.u32 s1, v9;
	v34 =	vor.u32 s1, v5;
	[tilespmem:v28+s26+$0x0] =	vst.idx.msk $0xffff, v25;
	v31 =	vpop (erf)  }
0x171: {  	v30 =	vor.u32 s1, v7;
	v49 =	vmul.f32 v49, v37;
	[tilespmem:v36+s26+$0x0] =	vst.idx.msk $0xffff, v38;
	v51 =	vmul.f32 v31, v22;
	v31 =	vpop (erf)  }
0x172: {  	[tilespmem:v32+s28+$0x0] =	vst.idx.msk $0xffff, v40;
	v40 =	vmul.f32 v31, v22;
	v31 =	vor.u32 s1, v8;
	v52 =	vpop (erf);
	(erf) = vpow2.f32 v41  }
0x173: {  	v49 =	vadd.f32 $-2.467401270e+00, v49;
	[tilespmem:v35+s28+$0x0] =	vst.idx.msk $0xffff, v42;
	v41 =	vmul.f32 v52, v22;
	v42 =	vmul.f32 $1.442695020e+00, v33;
	v52 =	vpop (erf)  }
0x174: {  	v33 =	vor.u32 s1, v10;
	[tilespmem:v23+s28+$0x0] =	vst.idx.msk $0xffff, v43;
	(erf) = vpow2.f32 v50  }
0x175: {  	v43 =	vor.u32 s1, v11;
	[tilespmem:v34+s28+$0x0] =	vst.idx.msk $0xffff, v48;
	v48 =	vmul.f32 v52, v22;
	v50 =	vpop (erf);
	(erf) = vpow2.f32 v42  }
0x176: {  	v49 =	vmul.f32 v49, v37;
	v42 =	vor.u32 s1, v12;
	[tilespmem:v30+s28+$0x0] =	vst.idx.msk $0xffff, v45;
	v45 =	vmul.f32 v50, v22  }
0x177: {  	v52 =	vor.u32 s1, v18;
	v50 =	vor.u32 s1, v14;
	[tilespmem:v31+s28+$0x0] =	vst.idx.msk $0xffff, v40;
	v40 =	vor.u32 s1, v13;
	v53 =	vpop (erf)  }
0x178: {  	[tilespmem:v29+s28+$0x0] =	vst.idx.msk $0xffff, v46;
	v46 =	vadd.f32 $2.238422110e-09, v49;
	v26 =	vmul.f32 v53, v26;
	v54 =	vmul.f32 v53, v24  }
0x179: {  	v49 =	vor.u32 s1, v16;
	v25 =	vmul.f32 v53, v25;
	[tilespmem:v33+s28+$0x0] =	vst.idx.msk $0xffff, v47;
	v47 =	vor.u32 s1, v15  }
0x17a: {  	vm1 =	vlt.f32 v38, $5.000000000e+00;
	[tilespmem:v43+s28+$0x0] =	vst.idx.msk $0xffff, v39;
	v26 =	vnsel vm0, $0x0, v26;
	v38 =	vnsel vm0, $0x0, v54  }
0x17b: {  	v46 =	vmul.f32 v46, v37;
	[tilespmem:v42+s28+$0x0] =	vst.idx.msk $0xffff, v51;
	v42 =	vor.u32 s1, v17;
	v37 =	vmul.f32 v38, v22;
	v24 =	vpop (erf)  }
0x17c: {  	v38 =	vmul.f32 v26, v22;
	[tilespmem:v40+s28+$0x0] =	vst.idx.msk $0xffff, v45;
	v43 =	vmul.f32 v24, v22;
	v24 =	vnsel vm0, $0x0, v25  }
0x17d: {  	v25 =	vadd.f32 $1.000000000e+00, v46;
	[tilespmem:v50+s28+$0x0] =	vst.idx.msk $0xffff, v48;
	v24 =	vmul.f32 v24, v22;
	v26 =	vmul.f32 $4.886025190e-01, v37;
	v39 =	vpop (erf)  }
.Ltmp5:
0x17e: {  	v40 =	vmul.f32 $4.886025190e-01, v38;
	[tilespmem:v47+s28+$0x0] =	vst.idx.msk $0xffff, v41;
	v41 =	vmul.f32 v39, v22;
	v39 =	vpop (erf);
	(pc) =	sbr.rel @p6 .LBB2_4-.Ltmp5, $4  }
0x17f: {  	v25 =	vnsel vm1, $0x0, v25;
	[tilespmem:v49+s28+$0x0] =	vst.idx.msk $0xffff, v43;
	v43 =	vmul.f32 v39, v22;
	v39 =	vmul.f32 v26, v22  }
0x180: {  	[tilespmem:v42+s28+$0x0] =	vst.idx.msk $0xffff, v41;
	v41 =	vmul.f32 $4.886025190e-01, v24;
	v42 =	vmul.f32 $3.000000000e+00, v24  }
0x181: {  	v25 =	vmul.f32 v25, v22;
	v26 =	vmul.f32 $1.092548490e+00, v38;
	[tilespmem:v52+s28+$0x0] =	vst.idx.msk $0xffff, v43  }
0x182: {  	[tilespmem:v44+s29+$0x0] =	vst.idx.msk $0xffff, v38;
	v41 =	vmul.f32 v41, v22;
	v42 =	vmul.f32 v42, v24  }
0x183: {  	_ =	sdelay $0x3  }
0x184: {  	[tilespmem:v27+s29+$0x0] =	vst.idx.msk $0xffff, v37  }
0x185: {  	[tilespmem:v28+s29+$0x0] =	vst.idx.msk $0xffff, v24  }
0x186: {  	v47 =	vmul.f32 $1.092548490e+00, v37;
	v48 =	vmul.f32 v25, v39;
	[tilespmem:v36+s29+$0x0] =	vst.idx.msk $0xffff, v25  }
0x187: {  	v49 =	vmul.f32 v38, v38;
	v50 =	vmul.f32 v40, v22;
	[tilespmem:v32+s20+$0x0] =	vst.idx.msk $0xffff, v39  }
0x188: {  	v52 =	vmul.f32 v26, v37;
	v51 =	vmul.f32 v25, v41;
	[tilespmem:v19+s5+$0x0] =	vst.idx.msk $0xffff, v48  }
0x189: {  	v54 =	vor.u32 $0x3, v19;
	v53 =	vadd.f32 $-1.000000000e+00, v42;
	v27 =	vmul.f32 v47, v24;
	[tilespmem:v35+s20+$0x0] =	vst.idx.msk $0xffff, v41  }
0x18a: {  	v55 =	vmul.f32 v52, v22;
	[tilespmem:v20+s5+$0x0] =	vst.idx.msk $0xffff, v51;
	v20 =	vmul.f32 v25, v50  }
0x18b: {  	v56 =	vmul.f32 v37, v37;
	v57 =	vor.u32 $0x4, v19;
	v28 =	vmul.f32 $3.153915700e-01, v53;
	[tilespmem:v23+s20+$0x0] =	vst.idx.msk $0xffff, v50  }
0x18c: {  	v27 =	vmul.f32 v27, v22;
	[tilespmem:v21+s5+$0x0] =	vst.idx.msk $0xffff, v20;
	v20 =	vmul.f32 v25, v55  }
0x18d: {  	v59 =	vor.u32 $0x5, v19;
	v60 =	vmul.f32 v26, v24;
	v58 =	vsub.f32 v49, v56;
	[tilespmem:v34+s20+$0x0] =	vst.idx.msk $0xffff, v55  }
0x18e: {  	v28 =	vmul.f32 v28, v22;
	[tilespmem:v54+s5+$0x0] =	vst.idx.msk $0xffff, v20;
	v20 =	vmul.f32 v25, v27  }
0x18f: {  	v61 =	vor.u32 $0x6, v19;
	v24 =	vmul.f32 v60, v22;
	[tilespmem:v30+s20+$0x0] =	vst.idx.msk $0xffff, v27  }
0x190: {  	v62 =	vmul.f32 v25, v28;
	v21 =	vmul.f32 $5.462742450e-01, v58;
	[tilespmem:v57+s5+$0x0] =	vst.idx.msk $0xffff, v20  }
0x191: {  	v19 =	vor.u32 $0x7, v19;
	[tilespmem:v31+s20+$0x0] =	vst.idx.msk $0xffff, v28  }
0x192: {  	v63 =	vmul.f32 v25, v24;
	v20 =	vmul.f32 v21, v22;
	[tilespmem:v59+s5+$0x0] =	vst.idx.msk $0xffff, v62  }
0x193: {  	[tilespmem:v29+s20+$0x0] =	vst.idx.msk $0xffff, v24  }
0x194: {  	v22 =	vmul.f32 v25, v20;
	[tilespmem:v61+s5+$0x0] =	vst.idx.msk $0xffff, v63  }
0x195: {  	s1 =	sshll.u32 s25, $0x9;
	[tilespmem:v33+s20+$0x0] =	vst.idx.msk $0xffff, v20  }
0x196: {  	s2 =	sadd.s32 s17, s1;
	[tilespmem:v19+s5+$0x0] =	vst.idx.msk $0xffff, v22  }
0x197: {  	[hbm4b:s2+s9] =	stream.linear.scatter [tilespmem:s26], [sflag:$0x3], $0x1000, $0x38;
	[tilespmem:$0x1AF50] =	vst v63  }
0x198: {  	_ =	swait.ge [sflag:s21], $0x1000  }
0x199: {  	[sflag:s21] =	ssyncset.done $0x0  }
0x19a: {  	s1 =	sadd.s32 s18, s1;
	[sflag:s21] =	ssyncadd.s32 $0xFFFFF000  }
0x19b: {  	[hbm4b:s1+s9] =	stream.linear.scatter [tilespmem:s29], [sflag:$0x3], $0x1000, $0x38;
	[tilespmem:$0x1AF50] =	vst v63  }
0x19c: {  	_ =	swait.ge [sflag:s21], $0x1000  }
0x19d: {  	[sflag:s21] =	ssyncset.done $0x0  }
0x19e: {  	[sflag:s21] =	ssyncadd.s32 $0xFFFFF000  }
0x19f: {  	s31 =	sshll.u32 s25, $0xA;
	s3 =	rddreg [dreg:$0x6]  }
0x1a0: {  	s2 =	sadd.s32 s3, s31  }
0x1a1: {  	[hbm4b:s2+s9] =	stream.linear.scatter [tilespmem:s28], [sflag:$0x3], $0x2000, $0x38;
	[tilespmem:$0x1AF50] =	vst v63  }
0x1a2: {  	_ =	swait.ge [sflag:s21], $0x2000  }
0x1a3: {  	[sflag:s21] =	ssyncset.done $0x0  }
0x1a4: {  	s23 =	sadd.s32 s31, s4;
	s3 =	simm.s32 $0x8C00;
	[sflag:s21] =	ssyncadd.s32 $0xFFFFE000  }
0x1a5: {  	[hbm4b:s23+s9] =	stream.linear.scatter [tilespmem:s3], [sflag:$0x3], $0x2000, $0x38;
	[tilespmem:$0x1AF50] =	vst v63  }
0x1a6: {  	_ =	swait.ge [sflag:s21], $0x2000  }
0x1a7: {  	[sflag:s21] =	ssyncset.done $0x0  }
0x1a8: {  	[sflag:s21] =	ssyncadd.s32 $0xFFFFE000  }
0x1a9: {  	s25 =	rddreg [dreg:$0x7]  }
0x1aa: {  	s1 =	sadd.s32 s25, s31  }
0x1ab: {  	[hbm4b:s1+s9] =	stream.linear.scatter [tilespmem:s20], [sflag:$0x3], $0x2000, $0x38;
	[tilespmem:$0x1AF50] =	vst v63  }
0x1ac: {  	_ =	swait.ge [sflag:s21], $0x2000  }
0x1ad: {  	[sflag:s21] =	ssyncset.done $0x0  }
0x1ae: {  	[sflag:s21] =	ssyncadd.s32 $0xFFFFE000  }
.Ltmp6:
0x1af: {  	s31 =	rddreg [dreg:$0x8];
	(pc) =	sbr.rel .LBB2_6-.Ltmp6, $4  }
0x1b0: {  	[spmem:s31] =	stream.indirect.scatter.add.f32 [tilespmem:s5], [sflag:$0x3], $0x8, s9, s13, $0xb8;
	[tilespmem:$0x1AF50] =	vst v63  }
0x1b1: {  	_ =	swait.ge [sflag:s21], $0x2000  }
0x1b2: {  	[sflag:s21] =	ssyncset.done $0x0  }
0x1b3: {  	s30 =	smov.u32 s8;
	s8 =	smov.u32 s22;
	[sflag:s21] =	ssyncadd.s32 $0xFFFFE000  }
.LBB2_8:
0x1b4: {  	_ =	sfence.sel $0x180000  }
0x1b5: {  	[bflag:$0x0] =	sbarrier.arrive $0xFFFF  }
0x1b6: {  	_ =	strace $0x90000047  }
0x1b7: {  	[bflag:$0x2] =	sbarrier.arrive $0xFFFF  }
0x1b8: {  	s0 =	rddreg [dreg:$0x9]  }
0x1b9: {  	s0 =	sadd.s32 @!p2 $0x100000, s0  }
0x1ba: {  	[sflag:s0] =	ssyncadd.tile.s32 @!p2 $0x1;
	_ =	shalt  }
.Lfunc_end2:
_tile_overlayer_lowered:
.L_overlay_start_2:
0x1bb: {  	(tag) =	ssettag $0x2  }
0x1bc: {  	s0 =	rddreg [dreg:$0x0];
	s2 =	stileid.u32  }
0x1bd: {  	s1 =	rddreg [dreg:$0x1];
	p0 =	sne.s32 s2, $0x0  }
0x1be: {  	s3 =	rddreg [dreg:$0x2];
	[bflag:$0x3] =	sbarrier.arrive $0xFFFF;
	s2 =	simm.s32 @!p0 $0x1C04  }
0x1bf: {  	[timem:s3], [sflag:s2] =	dma.local @!p0 [hbm:s0], s1  }
0x1c0: {  	s0 =	simm.s32 @!p0 $0x4  }
0x1c1: {  	_ =	swait.ge @!p0 [sflag:s0], s1  }
0x1c2: {  	s1 =	ssub.s32 @!p0 $0x0, s1;
	[sflag:s0] =	ssyncset.done @!p0 $0x0  }
0x1c3: {  	[sflag:s0] =	ssyncadd.s32 @!p0 s1  }
0x1c4: {  	[bflag:$0x3] =	sbarrier.arrive $0xFFFF  }
0x1c5: {  	_ =	shalt  }

</sc_bundles>
